<compile_context>
chip_gen: v7x
topology: tpu7x:2x2x1
jax: 0.10.2.dev20260603
libtpu: 0.0.44.dev20260713+nightly
codegen_flags: <defaults>
</compile_context>

<pallas_src>
import functools

import jax
import jax.numpy as jnp
from jax import lax
from jax.experimental import pallas as pl
from jax.experimental.pallas import tpu as pltpu
from jax.experimental.pallas import tpu_sc as plsc

_N = 10000
_E = 320000
_C = 128
_H = 256

_NC = 2
_NS = 16
_B = 128
_EP = 327680
_NP = 10240
_RPS = _NP // _NS


def _sc_segment_sum(table, idxs, dsts, zeros, epc):
  eps = epc // _NS
  nb = eps // _B
  assert eps % _B == 0 and nb % 2 == 0

  mesh = plsc.VectorSubcoreMesh(core_axis_name="c", subcore_axis_name="s")

  @functools.partial(
      pl.kernel,
      out_type=jax.ShapeDtypeStruct((_NC, _NP, _C), jnp.float32),
      mesh=mesh,
      scratch_types=[
          pltpu.VMEM((_B,), jnp.int32),
          pltpu.VMEM((_B,), jnp.int32),
          pltpu.VMEM((_B,), jnp.int32),
          pltpu.VMEM((_B,), jnp.int32),
          pltpu.VMEM((_B, _C), jnp.float32),
          pltpu.VMEM((_B, _C), jnp.float32),
          pltpu.VMEM_SHARED((_NP, _C), jnp.float32),
          pltpu.SemaphoreType.DMA,
          pltpu.SemaphoreType.DMA,
          pltpu.SemaphoreType.DMA,
          pltpu.SemaphoreType.DMA,
      ],
  )
  def k(table_h, idxs_h, dsts_h, zero_h, out_h,
        idx0, idx1, dstb0, dstb1, buf0, buf1, acc, sem0, sem1, sem2, sem3):
    c = lax.axis_index("c")
    s = lax.axis_index("s")

    pltpu.sync_copy(zero_h.at[pl.ds(s * _RPS, _RPS)],
                    acc.at[pl.ds(s * _RPS, _RPS)])
    plsc.subcore_barrier()

    base = c * epc + s * eps

    lanes = lax.iota(jnp.int32, 16)
    for j in range(_B // 16):
      dstb0[pl.ds(j * 16, 16)] = lanes + (_N + j * 16)
      dstb1[pl.ds(j * 16, 16)] = lanes + (_N + j * 16)
    pltpu.async_copy(buf0, acc.at[dstb0], sem2, add=True)
    pltpu.async_copy(buf1, acc.at[dstb1], sem3, add=True)

    def body(i, carry):
      off0 = pl.multiple_of(base + (2 * i) * _B, 8)
      off1 = pl.multiple_of(base + (2 * i + 1) * _B, 8)
      pltpu.make_async_copy(buf0, acc.at[dstb0], sem2).wait()
      pltpu.sync_copy(idxs_h.at[pl.ds(off0, _B)], idx0)
      cp0 = pltpu.async_copy(table_h.at[idx0], buf0, sem0)
      pltpu.make_async_copy(buf1, acc.at[dstb1], sem3).wait()
      pltpu.sync_copy(idxs_h.at[pl.ds(off1, _B)], idx1)
      cp1 = pltpu.async_copy(table_h.at[idx1], buf1, sem1)
      pltpu.sync_copy(dsts_h.at[pl.ds(off0, _B)], dstb0)
      pltpu.sync_copy(dsts_h.at[pl.ds(off1, _B)], dstb1)
      cp0.wait()
      pltpu.async_copy(buf0, acc.at[dstb0], sem2, add=True)
      cp1.wait()
      pltpu.async_copy(buf1, acc.at[dstb1], sem3, add=True)
      return carry

    lax.fori_loop(0, nb // 2, body, 0)
    pltpu.make_async_copy(buf0, acc.at[dstb0], sem2).wait()
    pltpu.make_async_copy(buf1, acc.at[dstb1], sem3).wait()
    plsc.subcore_barrier()
    pltpu.sync_copy(acc.at[pl.ds(s * _RPS, _RPS)],
                    out_h.at[c, pl.ds(s * _RPS, _RPS)])

  return k(table, idxs, dsts, zeros)


_BLK = 400


def _mlp1_body(x_ref, p_ref, wa_ref, ba_ref, wb_ref, bb_ref, h_ref):
  t = x_ref[...] + p_ref[0] + p_ref[1]
  a = jnp.maximum(
      jnp.dot(t, wa_ref[...], preferred_element_type=jnp.float32)
      + ba_ref[...], 0.0)
  h = jnp.maximum(
      jnp.dot(a, wb_ref[...], preferred_element_type=jnp.float32)
      + bb_ref[...], 0.0)
  h_ref[...] = h


def _mlp1(x, p, W1a, b1a, W1b, b1b):
  return pl.pallas_call(
      _mlp1_body,
      grid=(_N // _BLK,),
      in_specs=[
          pl.BlockSpec((_BLK, _C), lambda i: (i, 0)),
          pl.BlockSpec((_NC, _BLK, _C), lambda i: (0, i, 0)),
          pl.BlockSpec((_C, _H), lambda i: (0, 0)),
          pl.BlockSpec((1, _H), lambda i: (0, 0)),
          pl.BlockSpec((_H, _H), lambda i: (0, 0)),
          pl.BlockSpec((1, _H), lambda i: (0, 0)),
      ],
      out_specs=pl.BlockSpec((_BLK, _H), lambda i: (i, 0)),
      out_shape=jax.ShapeDtypeStruct((_N, _H), jnp.float32),
  )(x, p, W1a, b1a.reshape(1, _H), W1b, b1b.reshape(1, _H))


def _mlp2_body(h_ref, p_ref, wa_ref, ba_ref, wb_ref, bb_ref, o_ref):
  t = h_ref[...] + jnp.concatenate([p_ref[0], p_ref[1]], axis=1)
  z = jnp.maximum(
      jnp.dot(t, wa_ref[...], preferred_element_type=jnp.float32)
      + ba_ref[...], 0.0)
  u = jnp.dot(z, wb_ref[...], preferred_element_type=jnp.float32) + bb_ref[...]
  o_ref[...] = 1.0 / (1.0 + jnp.exp(-u))


def _mlp2(h, p, W2a, b2a, W2b, b2b):
  return pl.pallas_call(
      _mlp2_body,
      grid=(_N // _BLK,),
      in_specs=[
          pl.BlockSpec((_BLK, _H), lambda i: (i, 0)),
          pl.BlockSpec((_NC, _BLK, _C), lambda i: (0, i, 0)),
          pl.BlockSpec((_H, _H), lambda i: (0, 0)),
          pl.BlockSpec((1, _H), lambda i: (0, 0)),
          pl.BlockSpec((_H, _C), lambda i: (0, 0)),
          pl.BlockSpec((1, _C), lambda i: (0, 0)),
      ],
      out_specs=pl.BlockSpec((_BLK, _C), lambda i: (i, 0)),
      out_shape=jax.ShapeDtypeStruct((_N, _C), jnp.float32),
  )(h, p, W2a, b2a.reshape(1, _H), W2b, b2b.reshape(1, _C))


def kernel(x, edge_index, W1a, b1a, W1b, b1b, W2a, b2a, W2b, b2b):
  src = edge_index[0].astype(jnp.int32)
  dst = edge_index[1].astype(jnp.int32)
  pad = _EP - _E
  ar = jnp.arange(pad, dtype=jnp.int32)
  srcp = jnp.concatenate([src, ar % _N])
  dstp = jnp.concatenate([dst, _N + (ar % (_NP - _N))])
  zeros = jnp.zeros((_NP, _C), jnp.float32)

  idx2 = (srcp[None, :] * 2
          + jnp.arange(_NC, dtype=jnp.int32)[:, None]).reshape(_NC * _EP)
  dst2 = jnp.concatenate([dstp, dstp])

  p1 = _sc_segment_sum(x, srcp, dstp, zeros, _EP // _NC)[:, :_N]
  h = _mlp1(x, p1, W1a, b1a, W1b, b1b)
  p2 = _sc_segment_sum(h.reshape(2 * _N, _C), idx2, dst2, zeros,
                       _EP)[:, :_N]
  return _mlp2(h, p2, W2a, b2a, W2b, b2b)

# --- scband reference (transcript-rebuilt; emitter-appended) ---
"""Pipeline reference for scband-ginnet-51196010169025 (READ-ONLY COPY).

The authoritative reference and input builder live on the scoring server;
editing this copy changes nothing except your own understanding.
"""

import jax, jax.numpy as jnp
import numpy as np

N = 10000
E = 320000
IN_C = 128
HIDDEN = 256
OUT_C = 128


def setup_inputs(seed: int = 0) -> dict:
    key = jax.random.key(seed)
    ks = jax.random.split(key, 12)
    x = jax.random.normal(ks[0], (N, IN_C), dtype=jnp.float32)
    edge_index = jax.random.randint(ks[1], (2, E), 0, N, dtype=jnp.int64)
    # GINConv nn1: Linear(in_c, hidden) -> ReLU -> Linear(hidden, hidden)
    W1a = jax.random.normal(ks[2], (IN_C, HIDDEN), dtype=jnp.float32) * (1.0 / np.sqrt(IN_C))
    b1a = jnp.zeros((HIDDEN,), dtype=jnp.float32)
    W1b = jax.random.normal(ks[3], (HIDDEN, HIDDEN), dtype=jnp.float32) * (1.0 / np.sqrt(HIDDEN))
    b1b = jnp.zeros((HIDDEN,), dtype=jnp.float32)
    # GINConv nn2: Linear(hidden, hidden) -> ReLU -> Linear(hidden, out_c)
    W2a = jax.random.normal(ks[4], (HIDDEN, HIDDEN), dtype=jnp.float32) * (1.0 / np.sqrt(HIDDEN))
    b2a = jnp.zeros((HIDDEN,), dtype=jnp.float32)
    W2b = jax.random.normal(ks[5], (HIDDEN, OUT_C), dtype=jnp.float32) * (1.0 / np.sqrt(HIDDEN))
    b2b = jnp.zeros((OUT_C,), dtype=jnp.float32)
    return {"x": x, "edge_index": edge_index,
            "W1a": W1a, "b1a": b1a, "W1b": W1b, "b1b": b1b,
            "W2a": W2a, "b2a": b2a, "W2b": W2b, "b2b": b2b}


def reference(x, edge_index, W1a, b1a, W1b, b1b, W2a, b2a, W2b, b2b):
    n = x.shape[0]
    src = edge_index[0]
    dst = edge_index[1]
    # GINConv 1: (1+eps)*x + sum_{j in N(i)} x_j, eps=0 (GINConv default)
    agg1 = jax.ops.segment_sum(x[src], dst, num_segments=n)
    h = x + agg1
    h = jnp.maximum(h @ W1a + b1a, 0.0) @ W1b + b1b
    h = jax.nn.relu(h)
    # dropout p=0.5 is identity in eval mode (self.training == False)
    # GINConv 2
    agg2 = jax.ops.segment_sum(h[src], dst, num_segments=n)
    h2 = h + agg2
    h2 = jnp.maximum(h2 @ W2a + b2a, 0.0) @ W2b + b2b
    return jax.nn.sigmoid(h2)

if __name__ == "__main__":
    import jax
    _d = setup_inputs()
    print(jax.jit(kernel)(*tuple(_d.values())))

</pallas_src>

<mosaic_0001>
#map = affine_map<(d0, d1) -> (0, 0)>
#map1 = affine_map<(d0, d1) -> (0)>
#map2 = affine_map<(d0, d1) -> (0, 0, 0)>
module attributes {stable_mosaic.version = 14 : i64} {
  func.func @k(%arg0: i32, %arg1: i32, %arg2: memref<10000x128xf32, #tpu.memory_space<hbm>>, %arg3: memref<327680xi32, #tpu.memory_space<hbm>>, %arg4: memref<327680xi32, #tpu.memory_space<hbm>>, %arg5: memref<10240x128xf32, #tpu.memory_space<hbm>>, %arg6: memref<2x10240x128xf32, #tpu.memory_space<hbm>>, %arg7: memref<128xi32, #tpu.memory_space<vmem>>, %arg8: memref<128xi32, #tpu.memory_space<vmem>>, %arg9: memref<128xi32, #tpu.memory_space<vmem>>, %arg10: memref<128xi32, #tpu.memory_space<vmem>>, %arg11: memref<128x128xf32, #tpu.memory_space<vmem>>, %arg12: memref<128x128xf32, #tpu.memory_space<vmem>>, %arg13: memref<10240x128xf32, #tpu.memory_space<vmem_shared>>, %arg14: memref<!tpu.dma_semaphore, #tpu.memory_space<semaphore_mem>>, %arg15: memref<!tpu.dma_semaphore, #tpu.memory_space<semaphore_mem>>, %arg16: memref<!tpu.dma_semaphore, #tpu.memory_space<semaphore_mem>>, %arg17: memref<!tpu.dma_semaphore, #tpu.memory_space<semaphore_mem>>) attributes {dimension_semantics = [#tpu.dimension_semantics<core_parallel>, #tpu.dimension_semantics<subcore_parallel>], iteration_bounds = array<i64: 2, 16>, scalar_prefetch = 0 : i64, scratch_operands = 11 : i64, tpu.core_type = #tpu.core_type<sc_vector_subcore>, window_params = [{transform_indices = #map}, {transform_indices = #map1}, {transform_indices = #map1}, {transform_indices = #map}, {transform_indices = #map2}]} {
    %mul3A = arith.constant 640 : i32
    %mul3A_0 = arith.muli %arg1, %mul3A : i32
    %mul3A_1 = arith.constant 640 : i32
    %mul3A_2 = arith.muli %arg1, %mul3A_1 : i32
    "tpu.region"() ({
      %run_scoped3A = tpu.sem_alloc : memref<!tpu.dma_semaphore, #tpu.memory_space<semaphore_mem>>
      %dma_start3A_138 = arith.constant 0 : i32
      %dma_start3A_139 = tpu.memref_slice %arg13[%mul3A_2, %dma_start3A_138] : memref<10240x128xf32, #tpu.memory_space<vmem_shared>> -> memref<640x128xf32, #tpu.memory_space<vmem_shared>>
      %dma_start3A_140 = arith.constant 0 : i32
      %dma_start3A_141 = tpu.memref_slice %arg5[%mul3A_0, %dma_start3A_140] : memref<10240x128xf32, #tpu.memory_space<hbm>> -> memref<640x128xf32, #tpu.memory_space<hbm>>
      tpu.enqueue_dma source(%dma_start3A_141 : memref<640x128xf32, #tpu.memory_space<hbm>>) target(%dma_start3A_139 : memref<640x128xf32, #tpu.memory_space<vmem_shared>>) target_semaphore(%run_scoped3A : memref<!tpu.dma_semaphore, #tpu.memory_space<semaphore_mem>>)
      %dma_wait3A_142 = arith.constant 0 : i32
      %dma_wait3A_143 = tpu.memref_slice %arg13[%mul3A_2, %dma_wait3A_142] : memref<10240x128xf32, #tpu.memory_space<vmem_shared>> -> memref<640x128xf32, #tpu.memory_space<vmem_shared>>
      %dma_wait3A_144 = arith.constant 0 : i32
      %dma_wait3A_145 = tpu.memref_slice %arg5[%mul3A_0, %dma_wait3A_144] : memref<10240x128xf32, #tpu.memory_space<hbm>> -> memref<640x128xf32, #tpu.memory_space<hbm>>
      tpu.wait_dma2 semaphore(%run_scoped3A : memref<!tpu.dma_semaphore, #tpu.memory_space<semaphore_mem>>) src(%dma_wait3A_145 : memref<640x128xf32, #tpu.memory_space<hbm>>) dst(%dma_wait3A_143 : memref<640x128xf32, #tpu.memory_space<vmem_shared>>)
      tpu.yield
    }) : () -> ()
    %barrier3A = arith.constant 0 : index
    tpu.barrier barrier_id(%barrier3A)
    %mul3A_3 = arith.constant 163840 : i32
    %mul3A_4 = arith.muli %arg0, %mul3A_3 : i32
    %mul3A_5 = arith.constant 10240 : i32
    %mul3A_6 = arith.muli %arg1, %mul3A_5 : i32
    %add3A = arith.addi %mul3A_4, %mul3A_6 : i32
    %iota3A = tpu.iota {dimensions = array<i32: 0>} : vector<16xi32>
    %add3A_7 = arith.constant 10000 : i32
    %add3A_8 = vector.broadcast %add3A_7 : i32 to vector<16xi32>
    %add3A_9 = arith.addi %iota3A, %add3A_8 : vector<16xi32>
    %swap3A = arith.constant 0 : index
    %swap3A_10 = tpu.vector_load %arg9[%swap3A] {strides = array<i32>} : memref<128xi32, #tpu.memory_space<vmem>>, vector<16xi32>,
    %swap3A_11 = vector.shape_cast %swap3A_10 : vector<16xi32> to vector<16xi32>
    %swap3A_12 = vector.shape_cast %add3A_9 : vector<16xi32> to vector<16xi32>
    tpu.vector_store %arg9[%swap3A], %swap3A_12 {strides = array<i32>} : memref<128xi32, #tpu.memory_space<vmem>>, vector<16xi32>,
    %add3A_13 = arith.constant 10000 : i32
    %add3A_14 = vector.broadcast %add3A_13 : i32 to vector<16xi32>
    %add3A_15 = arith.addi %iota3A, %add3A_14 : vector<16xi32>
    %swap3A_16 = arith.constant 0 : index
    %swap3A_17 = tpu.vector_load %arg10[%swap3A_16] {strides = array<i32>} : memref<128xi32, #tpu.memory_space<vmem>>, vector<16xi32>,
    %swap3A_18 = vector.shape_cast %swap3A_17 : vector<16xi32> to vector<16xi32>
    %swap3A_19 = vector.shape_cast %add3A_15 : vector<16xi32> to vector<16xi32>
    tpu.vector_store %arg10[%swap3A_16], %swap3A_19 {strides = array<i32>} : memref<128xi32, #tpu.memory_space<vmem>>, vector<16xi32>,
    %add3A_20 = arith.constant 10016 : i32
    %add3A_21 = vector.broadcast %add3A_20 : i32 to vector<16xi32>
    %add3A_22 = arith.addi %iota3A, %add3A_21 : vector<16xi32>
    %swap3A_23 = arith.constant 16 : index
    %swap3A_24 = tpu.vector_load %arg9[%swap3A_23] {strides = array<i32>} : memref<128xi32, #tpu.memory_space<vmem>>, vector<16xi32>,
    %swap3A_25 = vector.shape_cast %swap3A_24 : vector<16xi32> to vector<16xi32>
    %swap3A_26 = vector.shape_cast %add3A_22 : vector<16xi32> to vector<16xi32>
    tpu.vector_store %arg9[%swap3A_23], %swap3A_26 {strides = array<i32>} : memref<128xi32, #tpu.memory_space<vmem>>, vector<16xi32>,
    %add3A_27 = arith.constant 10016 : i32
    %add3A_28 = vector.broadcast %add3A_27 : i32 to vector<16xi32>
    %add3A_29 = arith.addi %iota3A, %add3A_28 : vector<16xi32>
    %swap3A_30 = arith.constant 16 : index
    %swap3A_31 = tpu.vector_load %arg10[%swap3A_30] {strides = array<i32>} : memref<128xi32, #tpu.memory_space<vmem>>, vector<16xi32>,
    %swap3A_32 = vector.shape_cast %swap3A_31 : vector<16xi32> to vector<16xi32>
    %swap3A_33 = vector.shape_cast %add3A_29 : vector<16xi32> to vector<16xi32>
    tpu.vector_store %arg10[%swap3A_30], %swap3A_33 {strides = array<i32>} : memref<128xi32, #tpu.memory_space<vmem>>, vector<16xi32>,
    %add3A_34 = arith.constant 10032 : i32
    %add3A_35 = vector.broadcast %add3A_34 : i32 to vector<16xi32>
    %add3A_36 = arith.addi %iota3A, %add3A_35 : vector<16xi32>
    %swap3A_37 = arith.constant 32 : index
    %swap3A_38 = tpu.vector_load %arg9[%swap3A_37] {strides = array<i32>} : memref<128xi32, #tpu.memory_space<vmem>>, vector<16xi32>,
    %swap3A_39 = vector.shape_cast %swap3A_38 : vector<16xi32> to vector<16xi32>
    %swap3A_40 = vector.shape_cast %add3A_36 : vector<16xi32> to vector<16xi32>
    tpu.vector_store %arg9[%swap3A_37], %swap3A_40 {strides = array<i32>} : memref<128xi32, #tpu.memory_space<vmem>>, vector<16xi32>,
    %add3A_41 = arith.constant 10032 : i32
    %add3A_42 = vector.broadcast %add3A_41 : i32 to vector<16xi32>
    %add3A_43 = arith.addi %iota3A, %add3A_42 : vector<16xi32>
    %swap3A_44 = arith.constant 32 : index
    %swap3A_45 = tpu.vector_load %arg10[%swap3A_44] {strides = array<i32>} : memref<128xi32, #tpu.memory_space<vmem>>, vector<16xi32>,
    %swap3A_46 = vector.shape_cast %swap3A_45 : vector<16xi32> to vector<16xi32>
    %swap3A_47 = vector.shape_cast %add3A_43 : vector<16xi32> to vector<16xi32>
    tpu.vector_store %arg10[%swap3A_44], %swap3A_47 {strides = array<i32>} : memref<128xi32, #tpu.memory_space<vmem>>, vector<16xi32>,
    %add3A_48 = arith.constant 10048 : i32
    %add3A_49 = vector.broadcast %add3A_48 : i32 to vector<16xi32>
    %add3A_50 = arith.addi %iota3A, %add3A_49 : vector<16xi32>
    %swap3A_51 = arith.constant 48 : index
    %swap3A_52 = tpu.vector_load %arg9[%swap3A_51] {strides = array<i32>} : memref<128xi32, #tpu.memory_space<vmem>>, vector<16xi32>,
    %swap3A_53 = vector.shape_cast %swap3A_52 : vector<16xi32> to vector<16xi32>
    %swap3A_54 = vector.shape_cast %add3A_50 : vector<16xi32> to vector<16xi32>
    tpu.vector_store %arg9[%swap3A_51], %swap3A_54 {strides = array<i32>} : memref<128xi32, #tpu.memory_space<vmem>>, vector<16xi32>,
    %add3A_55 = arith.constant 10048 : i32
    %add3A_56 = vector.broadcast %add3A_55 : i32 to vector<16xi32>
    %add3A_57 = arith.addi %iota3A, %add3A_56 : vector<16xi32>
    %swap3A_58 = arith.constant 48 : index
    %swap3A_59 = tpu.vector_load %arg10[%swap3A_58] {strides = array<i32>} : memref<128xi32, #tpu.memory_space<vmem>>, vector<16xi32>,
    %swap3A_60 = vector.shape_cast %swap3A_59 : vector<16xi32> to vector<16xi32>
    %swap3A_61 = vector.shape_cast %add3A_57 : vector<16xi32> to vector<16xi32>
    tpu.vector_store %arg10[%swap3A_58], %swap3A_61 {strides = array<i32>} : memref<128xi32, #tpu.memory_space<vmem>>, vector<16xi32>,
    %add3A_62 = arith.constant 10064 : i32
    %add3A_63 = vector.broadcast %add3A_62 : i32 to vector<16xi32>
    %add3A_64 = arith.addi %iota3A, %add3A_63 : vector<16xi32>
    %swap3A_65 = arith.constant 64 : index
    %swap3A_66 = tpu.vector_load %arg9[%swap3A_65] {strides = array<i32>} : memref<128xi32, #tpu.memory_space<vmem>>, vector<16xi32>,
    %swap3A_67 = vector.shape_cast %swap3A_66 : vector<16xi32> to vector<16xi32>
    %swap3A_68 = vector.shape_cast %add3A_64 : vector<16xi32> to vector<16xi32>
    tpu.vector_store %arg9[%swap3A_65], %swap3A_68 {strides = array<i32>} : memref<128xi32, #tpu.memory_space<vmem>>, vector<16xi32>,
    %add3A_69 = arith.constant 10064 : i32
    %add3A_70 = vector.broadcast %add3A_69 : i32 to vector<16xi32>
    %add3A_71 = arith.addi %iota3A, %add3A_70 : vector<16xi32>
    %swap3A_72 = arith.constant 64 : index
    %swap3A_73 = tpu.vector_load %arg10[%swap3A_72] {strides = array<i32>} : memref<128xi32, #tpu.memory_space<vmem>>, vector<16xi32>,
    %swap3A_74 = vector.shape_cast %swap3A_73 : vector<16xi32> to vector<16xi32>
    %swap3A_75 = vector.shape_cast %add3A_71 : vector<16xi32> to vector<16xi32>
    tpu.vector_store %arg10[%swap3A_72], %swap3A_75 {strides = array<i32>} : memref<128xi32, #tpu.memory_space<vmem>>, vector<16xi32>,
    %add3A_76 = arith.constant 10080 : i32
    %add3A_77 = vector.broadcast %add3A_76 : i32 to vector<16xi32>
    %add3A_78 = arith.addi %iota3A, %add3A_77 : vector<16xi32>
    %swap3A_79 = arith.constant 80 : index
    %swap3A_80 = tpu.vector_load %arg9[%swap3A_79] {strides = array<i32>} : memref<128xi32, #tpu.memory_space<vmem>>, vector<16xi32>,
    %swap3A_81 = vector.shape_cast %swap3A_80 : vector<16xi32> to vector<16xi32>
    %swap3A_82 = vector.shape_cast %add3A_78 : vector<16xi32> to vector<16xi32>
    tpu.vector_store %arg9[%swap3A_79], %swap3A_82 {strides = array<i32>} : memref<128xi32, #tpu.memory_space<vmem>>, vector<16xi32>,
    %add3A_83 = arith.constant 10080 : i32
    %add3A_84 = vector.broadcast %add3A_83 : i32 to vector<16xi32>
    %add3A_85 = arith.addi %iota3A, %add3A_84 : vector<16xi32>
    %swap3A_86 = arith.constant 80 : index
    %swap3A_87 = tpu.vector_load %arg10[%swap3A_86] {strides = array<i32>} : memref<128xi32, #tpu.memory_space<vmem>>, vector<16xi32>,
    %swap3A_88 = vector.shape_cast %swap3A_87 : vector<16xi32> to vector<16xi32>
    %swap3A_89 = vector.shape_cast %add3A_85 : vector<16xi32> to vector<16xi32>
    tpu.vector_store %arg10[%swap3A_86], %swap3A_89 {strides = array<i32>} : memref<128xi32, #tpu.memory_space<vmem>>, vector<16xi32>,
    %add3A_90 = arith.constant 10096 : i32
    %add3A_91 = vector.broadcast %add3A_90 : i32 to vector<16xi32>
    %add3A_92 = arith.addi %iota3A, %add3A_91 : vector<16xi32>
    %swap3A_93 = arith.constant 96 : index
    %swap3A_94 = tpu.vector_load %arg9[%swap3A_93] {strides = array<i32>} : memref<128xi32, #tpu.memory_space<vmem>>, vector<16xi32>,
    %swap3A_95 = vector.shape_cast %swap3A_94 : vector<16xi32> to vector<16xi32>
    %swap3A_96 = vector.shape_cast %add3A_92 : vector<16xi32> to vector<16xi32>
    tpu.vector_store %arg9[%swap3A_93], %swap3A_96 {strides = array<i32>} : memref<128xi32, #tpu.memory_space<vmem>>, vector<16xi32>,
    %add3A_97 = arith.constant 10096 : i32
    %add3A_98 = vector.broadcast %add3A_97 : i32 to vector<16xi32>
    %add3A_99 = arith.addi %iota3A, %add3A_98 : vector<16xi32>
    %swap3A_100 = arith.constant 96 : index
    %swap3A_101 = tpu.vector_load %arg10[%swap3A_100] {strides = array<i32>} : memref<128xi32, #tpu.memory_space<vmem>>, vector<16xi32>,
    %swap3A_102 = vector.shape_cast %swap3A_101 : vector<16xi32> to vector<16xi32>
    %swap3A_103 = vector.shape_cast %add3A_99 : vector<16xi32> to vector<16xi32>
    tpu.vector_store %arg10[%swap3A_100], %swap3A_103 {strides = array<i32>} : memref<128xi32, #tpu.memory_space<vmem>>, vector<16xi32>,
    %add3A_104 = arith.constant 10112 : i32
    %add3A_105 = vector.broadcast %add3A_104 : i32 to vector<16xi32>
    %add3A_106 = arith.addi %iota3A, %add3A_105 : vector<16xi32>
    %swap3A_107 = arith.constant 112 : index
    %swap3A_108 = tpu.vector_load %arg9[%swap3A_107] {strides = array<i32>} : memref<128xi32, #tpu.memory_space<vmem>>, vector<16xi32>,
    %swap3A_109 = vector.shape_cast %swap3A_108 : vector<16xi32> to vector<16xi32>
    %swap3A_110 = vector.shape_cast %add3A_106 : vector<16xi32> to vector<16xi32>
    tpu.vector_store %arg9[%swap3A_107], %swap3A_110 {strides = array<i32>} : memref<128xi32, #tpu.memory_space<vmem>>, vector<16xi32>,
    %add3A_111 = arith.constant 10112 : i32
    %add3A_112 = vector.broadcast %add3A_111 : i32 to vector<16xi32>
    %add3A_113 = arith.addi %iota3A, %add3A_112 : vector<16xi32>
    %swap3A_114 = arith.constant 112 : index
    %swap3A_115 = tpu.vector_load %arg10[%swap3A_114] {strides = array<i32>} : memref<128xi32, #tpu.memory_space<vmem>>, vector<16xi32>,
    %swap3A_116 = vector.shape_cast %swap3A_115 : vector<16xi32> to vector<16xi32>
    %swap3A_117 = vector.shape_cast %add3A_113 : vector<16xi32> to vector<16xi32>
    tpu.vector_store %arg10[%swap3A_114], %swap3A_117 {strides = array<i32>} : memref<128xi32, #tpu.memory_space<vmem>>, vector<16xi32>,
    %dma_start3A = arith.constant 0 : i32
    %dma_start3A_118 = arith.constant 0 : i32
    %dma_start3A_119 = tpu.memref_slice %arg13[%dma_start3A, %dma_start3A_118] : memref<10240x128xf32, #tpu.memory_space<vmem_shared>> -> memref<10240x128xf32, #tpu.memory_space<vmem_shared>>
    tpu.enqueue_indirect_dma source(%arg11 : memref<128x128xf32, #tpu.memory_space<vmem>>) target(%dma_start3A_119 : memref<10240x128xf32, #tpu.memory_space<vmem_shared>>) offsets(%arg9 : memref<128xi32, #tpu.memory_space<vmem>>) semaphore(%arg16 : memref<!tpu.dma_semaphore, #tpu.memory_space<semaphore_mem>>) {add = true}
    %dma_start3A_120 = arith.constant 0 : i32
    %dma_start3A_121 = arith.constant 0 : i32
    %dma_start3A_122 = tpu.memref_slice %arg13[%dma_start3A_120, %dma_start3A_121] : memref<10240x128xf32, #tpu.memory_space<vmem_shared>> -> memref<10240x128xf32, #tpu.memory_space<vmem_shared>>
    tpu.enqueue_indirect_dma source(%arg12 : memref<128x128xf32, #tpu.memory_space<vmem>>) target(%dma_start3A_122 : memref<10240x128xf32, #tpu.memory_space<vmem_shared>>) offsets(%arg10 : memref<128xi32, #tpu.memory_space<vmem>>) semaphore(%arg17 : memref<!tpu.dma_semaphore, #tpu.memory_space<semaphore_mem>>) {add = true}
    %scan3A = arith.constant 0 : i32
    %scan3A_123 = arith.constant 0 : i32
    %scan3A_124 = arith.constant 40 : i32
    %scan3A_125 = arith.addi %scan3A_123, %scan3A_124 : i32
    %scan3A_126 = arith.constant 1 : i32
    scf.for %scan3A_138 = %scan3A_123 to %scan3A_125 step %scan3A_126  : i32 {
      %mul3A_139 = arith.constant 2 : i32
      %mul3A_140 = arith.muli %mul3A_139, %scan3A_138 : i32
      %mul3A_141 = arith.constant 128 : i32
      %mul3A_142 = arith.muli %mul3A_140, %mul3A_141 : i32
      %add3A_143 = arith.addi %add3A, %mul3A_142 : i32
      %multiple_of3A = tpu.assume_multiple %add3A_143, 8 : i32
      %mul3A_144 = arith.constant 2 : i32
      %mul3A_145 = arith.muli %mul3A_144, %scan3A_138 : i32
      %add3A_146 = arith.constant 1 : i32
      %add3A_147 = arith.addi %mul3A_145, %add3A_146 : i32
      %mul3A_148 = arith.constant 128 : i32
      %mul3A_149 = arith.muli %add3A_147, %mul3A_148 : i32
      %add3A_150 = arith.addi %add3A, %mul3A_149 : i32
      %multiple_of3A_151 = tpu.assume_multiple %add3A_150, 8 : i32
      %dma_wait3A_152 = arith.constant 0 : i32
      %dma_wait3A_153 = arith.constant 0 : i32
      %dma_wait3A_154 = tpu.memref_slice %arg13[%dma_wait3A_152, %dma_wait3A_153] : memref<10240x128xf32, #tpu.memory_space<vmem_shared>> -> memref<10240x128xf32, #tpu.memory_space<vmem_shared>>
      tpu.wait_indirect_dma semaphore(%arg16 : memref<!tpu.dma_semaphore, #tpu.memory_space<semaphore_mem>>) src(%arg11 : memref<128x128xf32, #tpu.memory_space<vmem>>) dst(%dma_wait3A_154 : memref<10240x128xf32, #tpu.memory_space<vmem_shared>>)
      "tpu.region"() ({
        %run_scoped3A = tpu.sem_alloc : memref<!tpu.dma_semaphore, #tpu.memory_space<semaphore_mem>>
        %dma_start3A_176 = tpu.memref_slice %arg3[%multiple_of3A] : memref<327680xi32, #tpu.memory_space<hbm>> -> memref<128xi32, #tpu.memory_space<hbm>>
        %dma_start3A_177 = tpu.memref_slice %arg3[%multiple_of3A] : memref<327680xi32, #tpu.memory_space<hbm>> -> memref<128xi32, #tpu.memory_space<hbm>>
        tpu.enqueue_dma source(%dma_start3A_177 : memref<128xi32, #tpu.memory_space<hbm>>) target(%arg7 : memref<128xi32, #tpu.memory_space<vmem>>) target_semaphore(%run_scoped3A : memref<!tpu.dma_semaphore, #tpu.memory_space<semaphore_mem>>)
        %dma_wait3A_178 = tpu.memref_slice %arg3[%multiple_of3A] : memref<327680xi32, #tpu.memory_space<hbm>> -> memref<128xi32, #tpu.memory_space<hbm>>
        %dma_wait3A_179 = tpu.memref_slice %arg3[%multiple_of3A] : memref<327680xi32, #tpu.memory_space<hbm>> -> memref<128xi32, #tpu.memory_space<hbm>>
        tpu.wait_dma2 semaphore(%run_scoped3A : memref<!tpu.dma_semaphore, #tpu.memory_space<semaphore_mem>>) src(%dma_wait3A_179 : memref<128xi32, #tpu.memory_space<hbm>>) dst(%arg7 : memref<128xi32, #tpu.memory_space<vmem>>)
        tpu.yield
      }) : () -> ()
      %dma_start3A_155 = arith.constant 0 : i32
      %dma_start3A_156 = arith.constant 0 : i32
      %dma_start3A_157 = tpu.memref_slice %arg2[%dma_start3A_155, %dma_start3A_156] : memref<10000x128xf32, #tpu.memory_space<hbm>> -> memref<10000x128xf32, #tpu.memory_space<hbm>>
      tpu.enqueue_indirect_dma source(%dma_start3A_157 : memref<10000x128xf32, #tpu.memory_space<hbm>>) target(%arg11 : memref<128x128xf32, #tpu.memory_space<vmem>>) offsets(%arg7 : memref<128xi32, #tpu.memory_space<vmem>>) semaphore(%arg14 : memref<!tpu.dma_semaphore, #tpu.memory_space<semaphore_mem>>)
      %dma_wait3A_158 = arith.constant 0 : i32
      %dma_wait3A_159 = arith.constant 0 : i32
      %dma_wait3A_160 = tpu.memref_slice %arg13[%dma_wait3A_158, %dma_wait3A_159] : memref<10240x128xf32, #tpu.memory_space<vmem_shared>> -> memref<10240x128xf32, #tpu.memory_space<vmem_shared>>
      tpu.wait_indirect_dma semaphore(%arg17 : memref<!tpu.dma_semaphore, #tpu.memory_space<semaphore_mem>>) src(%arg12 : memref<128x128xf32, #tpu.memory_space<vmem>>) dst(%dma_wait3A_160 : memref<10240x128xf32, #tpu.memory_space<vmem_shared>>)
      "tpu.region"() ({
        %run_scoped3A = tpu.sem_alloc : memref<!tpu.dma_semaphore, #tpu.memory_space<semaphore_mem>>
        %dma_start3A_176 = tpu.memref_slice %arg3[%multiple_of3A_151] : memref<327680xi32, #tpu.memory_space<hbm>> -> memref<128xi32, #tpu.memory_space<hbm>>
        %dma_start3A_177 = tpu.memref_slice %arg3[%multiple_of3A_151] : memref<327680xi32, #tpu.memory_space<hbm>> -> memref<128xi32, #tpu.memory_space<hbm>>
        tpu.enqueue_dma source(%dma_start3A_177 : memref<128xi32, #tpu.memory_space<hbm>>) target(%arg8 : memref<128xi32, #tpu.memory_space<vmem>>) target_semaphore(%run_scoped3A : memref<!tpu.dma_semaphore, #tpu.memory_space<semaphore_mem>>)
        %dma_wait3A_178 = tpu.memref_slice %arg3[%multiple_of3A_151] : memref<327680xi32, #tpu.memory_space<hbm>> -> memref<128xi32, #tpu.memory_space<hbm>>
        %dma_wait3A_179 = tpu.memref_slice %arg3[%multiple_of3A_151] : memref<327680xi32, #tpu.memory_space<hbm>> -> memref<128xi32, #tpu.memory_space<hbm>>
        tpu.wait_dma2 semaphore(%run_scoped3A : memref<!tpu.dma_semaphore, #tpu.memory_space<semaphore_mem>>) src(%dma_wait3A_179 : memref<128xi32, #tpu.memory_space<hbm>>) dst(%arg8 : memref<128xi32, #tpu.memory_space<vmem>>)
        tpu.yield
      }) : () -> ()
      %dma_start3A_161 = arith.constant 0 : i32
      %dma_start3A_162 = arith.constant 0 : i32
      %dma_start3A_163 = tpu.memref_slice %arg2[%dma_start3A_161, %dma_start3A_162] : memref<10000x128xf32, #tpu.memory_space<hbm>> -> memref<10000x128xf32, #tpu.memory_space<hbm>>
      tpu.enqueue_indirect_dma source(%dma_start3A_163 : memref<10000x128xf32, #tpu.memory_space<hbm>>) target(%arg12 : memref<128x128xf32, #tpu.memory_space<vmem>>) offsets(%arg8 : memref<128xi32, #tpu.memory_space<vmem>>) semaphore(%arg15 : memref<!tpu.dma_semaphore, #tpu.memory_space<semaphore_mem>>)
      "tpu.region"() ({
        %run_scoped3A = tpu.sem_alloc : memref<!tpu.dma_semaphore, #tpu.memory_space<semaphore_mem>>
        %dma_start3A_176 = tpu.memref_slice %arg4[%multiple_of3A] : memref<327680xi32, #tpu.memory_space<hbm>> -> memref<128xi32, #tpu.memory_space<hbm>>
        %dma_start3A_177 = tpu.memref_slice %arg4[%multiple_of3A] : memref<327680xi32, #tpu.memory_space<hbm>> -> memref<128xi32, #tpu.memory_space<hbm>>
        tpu.enqueue_dma source(%dma_start3A_177 : memref<128xi32, #tpu.memory_space<hbm>>) target(%arg9 : memref<128xi32, #tpu.memory_space<vmem>>) target_semaphore(%run_scoped3A : memref<!tpu.dma_semaphore, #tpu.memory_space<semaphore_mem>>)
        %dma_wait3A_178 = tpu.memref_slice %arg4[%multiple_of3A] : memref<327680xi32, #tpu.memory_space<hbm>> -> memref<128xi32, #tpu.memory_space<hbm>>
        %dma_wait3A_179 = tpu.memref_slice %arg4[%multiple_of3A] : memref<327680xi32, #tpu.memory_space<hbm>> -> memref<128xi32, #tpu.memory_space<hbm>>
        tpu.wait_dma2 semaphore(%run_scoped3A : memref<!tpu.dma_semaphore, #tpu.memory_space<semaphore_mem>>) src(%dma_wait3A_179 : memref<128xi32, #tpu.memory_space<hbm>>) dst(%arg9 : memref<128xi32, #tpu.memory_space<vmem>>)
        tpu.yield
      }) : () -> ()
      "tpu.region"() ({
        %run_scoped3A = tpu.sem_alloc : memref<!tpu.dma_semaphore, #tpu.memory_space<semaphore_mem>>
        %dma_start3A_176 = tpu.memref_slice %arg4[%multiple_of3A_151] : memref<327680xi32, #tpu.memory_space<hbm>> -> memref<128xi32, #tpu.memory_space<hbm>>
        %dma_start3A_177 = tpu.memref_slice %arg4[%multiple_of3A_151] : memref<327680xi32, #tpu.memory_space<hbm>> -> memref<128xi32, #tpu.memory_space<hbm>>
        tpu.enqueue_dma source(%dma_start3A_177 : memref<128xi32, #tpu.memory_space<hbm>>) target(%arg10 : memref<128xi32, #tpu.memory_space<vmem>>) target_semaphore(%run_scoped3A : memref<!tpu.dma_semaphore, #tpu.memory_space<semaphore_mem>>)
        %dma_wait3A_178 = tpu.memref_slice %arg4[%multiple_of3A_151] : memref<327680xi32, #tpu.memory_space<hbm>> -> memref<128xi32, #tpu.memory_space<hbm>>
        %dma_wait3A_179 = tpu.memref_slice %arg4[%multiple_of3A_151] : memref<327680xi32, #tpu.memory_space<hbm>> -> memref<128xi32, #tpu.memory_space<hbm>>
        tpu.wait_dma2 semaphore(%run_scoped3A : memref<!tpu.dma_semaphore, #tpu.memory_space<semaphore_mem>>) src(%dma_wait3A_179 : memref<128xi32, #tpu.memory_space<hbm>>) dst(%arg10 : memref<128xi32, #tpu.memory_space<vmem>>)
        tpu.yield
      }) : () -> ()
      %dma_wait3A_164 = arith.constant 0 : i32
      %dma_wait3A_165 = arith.constant 0 : i32
      %dma_wait3A_166 = tpu.memref_slice %arg2[%dma_wait3A_164, %dma_wait3A_165] : memref<10000x128xf32, #tpu.memory_space<hbm>> -> memref<10000x128xf32, #tpu.memory_space<hbm>>
      tpu.wait_indirect_dma semaphore(%arg14 : memref<!tpu.dma_semaphore, #tpu.memory_space<semaphore_mem>>) src(%dma_wait3A_166 : memref<10000x128xf32, #tpu.memory_space<hbm>>) dst(%arg11 : memref<128x128xf32, #tpu.memory_space<vmem>>)
      %dma_start3A_167 = arith.constant 0 : i32
      %dma_start3A_168 = arith.constant 0 : i32
      %dma_start3A_169 = tpu.memref_slice %arg13[%dma_start3A_167, %dma_start3A_168] : memref<10240x128xf32, #tpu.memory_space<vmem_shared>> -> memref<10240x128xf32, #tpu.memory_space<vmem_shared>>
      tpu.enqueue_indirect_dma source(%arg11 : memref<128x128xf32, #tpu.memory_space<vmem>>) target(%dma_start3A_169 : memref<10240x128xf32, #tpu.memory_space<vmem_shared>>) offsets(%arg9 : memref<128xi32, #tpu.memory_space<vmem>>) semaphore(%arg16 : memref<!tpu.dma_semaphore, #tpu.memory_space<semaphore_mem>>) {add = true}
      %dma_wait3A_170 = arith.constant 0 : i32
      %dma_wait3A_171 = arith.constant 0 : i32
      %dma_wait3A_172 = tpu.memref_slice %arg2[%dma_wait3A_170, %dma_wait3A_171] : memref<10000x128xf32, #tpu.memory_space<hbm>> -> memref<10000x128xf32, #tpu.memory_space<hbm>>
      tpu.wait_indirect_dma semaphore(%arg15 : memref<!tpu.dma_semaphore, #tpu.memory_space<semaphore_mem>>) src(%dma_wait3A_172 : memref<10000x128xf32, #tpu.memory_space<hbm>>) dst(%arg12 : memref<128x128xf32, #tpu.memory_space<vmem>>)
      %dma_start3A_173 = arith.constant 0 : i32
      %dma_start3A_174 = arith.constant 0 : i32
      %dma_start3A_175 = tpu.memref_slice %arg13[%dma_start3A_173, %dma_start3A_174] : memref<10240x128xf32, #tpu.memory_space<vmem_shared>> -> memref<10240x128xf32, #tpu.memory_space<vmem_shared>>
      tpu.enqueue_indirect_dma source(%arg12 : memref<128x128xf32, #tpu.memory_space<vmem>>) target(%dma_start3A_175 : memref<10240x128xf32, #tpu.memory_space<vmem_shared>>) offsets(%arg10 : memref<128xi32, #tpu.memory_space<vmem>>) semaphore(%arg17 : memref<!tpu.dma_semaphore, #tpu.memory_space<semaphore_mem>>) {add = true}
    }
    %scan3A_127 = arith.constant 40 : i32
    %dma_wait3A = arith.constant 0 : i32
    %dma_wait3A_128 = arith.constant 0 : i32
    %dma_wait3A_129 = tpu.memref_slice %arg13[%dma_wait3A, %dma_wait3A_128] : memref<10240x128xf32, #tpu.memory_space<vmem_shared>> -> memref<10240x128xf32, #tpu.memory_space<vmem_shared>>
    tpu.wait_indirect_dma semaphore(%arg16 : memref<!tpu.dma_semaphore, #tpu.memory_space<semaphore_mem>>) src(%arg11 : memref<128x128xf32, #tpu.memory_space<vmem>>) dst(%dma_wait3A_129 : memref<10240x128xf32, #tpu.memory_space<vmem_shared>>)
    %dma_wait3A_130 = arith.constant 0 : i32
    %dma_wait3A_131 = arith.constant 0 : i32
    %dma_wait3A_132 = tpu.memref_slice %arg13[%dma_wait3A_130, %dma_wait3A_131] : memref<10240x128xf32, #tpu.memory_space<vmem_shared>> -> memref<10240x128xf32, #tpu.memory_space<vmem_shared>>
    tpu.wait_indirect_dma semaphore(%arg17 : memref<!tpu.dma_semaphore, #tpu.memory_space<semaphore_mem>>) src(%arg12 : memref<128x128xf32, #tpu.memory_space<vmem>>) dst(%dma_wait3A_132 : memref<10240x128xf32, #tpu.memory_space<vmem_shared>>)
    %barrier3A_133 = arith.constant 0 : index
    tpu.barrier barrier_id(%barrier3A_133)
    %mul3A_134 = arith.constant 640 : i32
    %mul3A_135 = arith.muli %arg1, %mul3A_134 : i32
    %mul3A_136 = arith.constant 640 : i32
    %mul3A_137 = arith.muli %arg1, %mul3A_136 : i32
    "tpu.region"() ({
      %run_scoped3A = tpu.sem_alloc : memref<!tpu.dma_semaphore, #tpu.memory_space<semaphore_mem>>
      %dma_start3A_138 = arith.constant 0 : i32
      %dma_start3A_139 = tpu.memref_slice %arg6[%arg0, %mul3A_137, %dma_start3A_138] : memref<2x10240x128xf32, #tpu.memory_space<hbm>> -> memref<1x640x128xf32, #tpu.memory_space<hbm>>
      %dma_start3A_140 = tpu.memref_squeeze %dma_start3A_139 : memref<1x640x128xf32, #tpu.memory_space<hbm>> -> memref<640x128xf32, #tpu.memory_space<hbm>>
      %dma_start3A_141 = arith.constant 0 : i32
      %dma_start3A_142 = tpu.memref_slice %arg13[%mul3A_135, %dma_start3A_141] : memref<10240x128xf32, #tpu.memory_space<vmem_shared>> -> memref<640x128xf32, #tpu.memory_space<vmem_shared>>
      tpu.enqueue_dma source(%dma_start3A_142 : memref<640x128xf32, #tpu.memory_space<vmem_shared>>) target(%dma_start3A_140 : memref<640x128xf32, #tpu.memory_space<hbm>>) target_semaphore(%run_scoped3A : memref<!tpu.dma_semaphore, #tpu.memory_space<semaphore_mem>>)
      %dma_wait3A_143 = arith.constant 0 : i32
      %dma_wait3A_144 = tpu.memref_slice %arg6[%arg0, %mul3A_137, %dma_wait3A_143] : memref<2x10240x128xf32, #tpu.memory_space<hbm>> -> memref<1x640x128xf32, #tpu.memory_space<hbm>>
      %dma_wait3A_145 = tpu.memref_squeeze %dma_wait3A_144 : memref<1x640x128xf32, #tpu.memory_space<hbm>> -> memref<640x128xf32, #tpu.memory_space<hbm>>
      %dma_wait3A_146 = arith.constant 0 : i32
      %dma_wait3A_147 = tpu.memref_slice %arg13[%mul3A_135, %dma_wait3A_146] : memref<10240x128xf32, #tpu.memory_space<vmem_shared>> -> memref<640x128xf32, #tpu.memory_space<vmem_shared>>
      tpu.wait_dma2 semaphore(%run_scoped3A : memref<!tpu.dma_semaphore, #tpu.memory_space<semaphore_mem>>) src(%dma_wait3A_147 : memref<640x128xf32, #tpu.memory_space<vmem_shared>>) dst(%dma_wait3A_145 : memref<640x128xf32, #tpu.memory_space<hbm>>)
      tpu.yield
    }) : () -> ()
    return
  }
}

#map = affine_map<(d0, d1) -> (0, 0)>
#map1 = affine_map<(d0, d1) -> (0)>
#map2 = affine_map<(d0, d1) -> (0, 0, 0)>
module attributes {stable_mosaic.version = 14 : i64} {
  func.func @k(%arg0: i32, %arg1: i32, %arg2: memref<20000x128xf32, #tpu.memory_space<hbm>>, %arg3: memref<655360xi32, #tpu.memory_space<hbm>>, %arg4: memref<655360xi32, #tpu.memory_space<hbm>>, %arg5: memref<10240x128xf32, #tpu.memory_space<hbm>>, %arg6: memref<2x10240x128xf32, #tpu.memory_space<hbm>>, %arg7: memref<128xi32, #tpu.memory_space<vmem>>, %arg8: memref<128xi32, #tpu.memory_space<vmem>>, %arg9: memref<128xi32, #tpu.memory_space<vmem>>, %arg10: memref<128xi32, #tpu.memory_space<vmem>>, %arg11: memref<128x128xf32, #tpu.memory_space<vmem>>, %arg12: memref<128x128xf32, #tpu.memory_space<vmem>>, %arg13: memref<10240x128xf32, #tpu.memory_space<vmem_shared>>, %arg14: memref<!tpu.dma_semaphore, #tpu.memory_space<semaphore_mem>>, %arg15: memref<!tpu.dma_semaphore, #tpu.memory_space<semaphore_mem>>, %arg16: memref<!tpu.dma_semaphore, #tpu.memory_space<semaphore_mem>>, %arg17: memref<!tpu.dma_semaphore, #tpu.memory_space<semaphore_mem>>) attributes {dimension_semantics = [#tpu.dimension_semantics<core_parallel>, #tpu.dimension_semantics<subcore_parallel>], iteration_bounds = array<i64: 2, 16>, scalar_prefetch = 0 : i64, scratch_operands = 11 : i64, tpu.core_type = #tpu.core_type<sc_vector_subcore>, window_params = [{transform_indices = #map}, {transform_indices = #map1}, {transform_indices = #map1}, {transform_indices = #map}, {transform_indices = #map2}]} {
    %mul3A = arith.constant 640 : i32
    %mul3A_0 = arith.muli %arg1, %mul3A : i32
    %mul3A_1 = arith.constant 640 : i32
    %mul3A_2 = arith.muli %arg1, %mul3A_1 : i32
    "tpu.region"() ({
      %run_scoped3A = tpu.sem_alloc : memref<!tpu.dma_semaphore, #tpu.memory_space<semaphore_mem>>
      %dma_start3A_138 = arith.constant 0 : i32
      %dma_start3A_139 = tpu.memref_slice %arg13[%mul3A_2, %dma_start3A_138] : memref<10240x128xf32, #tpu.memory_space<vmem_shared>> -> memref<640x128xf32, #tpu.memory_space<vmem_shared>>
      %dma_start3A_140 = arith.constant 0 : i32
      %dma_start3A_141 = tpu.memref_slice %arg5[%mul3A_0, %dma_start3A_140] : memref<10240x128xf32, #tpu.memory_space<hbm>> -> memref<640x128xf32, #tpu.memory_space<hbm>>
      tpu.enqueue_dma source(%dma_start3A_141 : memref<640x128xf32, #tpu.memory_space<hbm>>) target(%dma_start3A_139 : memref<640x128xf32, #tpu.memory_space<vmem_shared>>) target_semaphore(%run_scoped3A : memref<!tpu.dma_semaphore, #tpu.memory_space<semaphore_mem>>)
      %dma_wait3A_142 = arith.constant 0 : i32
      %dma_wait3A_143 = tpu.memref_slice %arg13[%mul3A_2, %dma_wait3A_142] : memref<10240x128xf32, #tpu.memory_space<vmem_shared>> -> memref<640x128xf32, #tpu.memory_space<vmem_shared>>
      %dma_wait3A_144 = arith.constant 0 : i32
      %dma_wait3A_145 = tpu.memref_slice %arg5[%mul3A_0, %dma_wait3A_144] : memref<10240x128xf32, #tpu.memory_space<hbm>> -> memref<640x128xf32, #tpu.memory_space<hbm>>
      tpu.wait_dma2 semaphore(%run_scoped3A : memref<!tpu.dma_semaphore, #tpu.memory_space<semaphore_mem>>) src(%dma_wait3A_145 : memref<640x128xf32, #tpu.memory_space<hbm>>) dst(%dma_wait3A_143 : memref<640x128xf32, #tpu.memory_space<vmem_shared>>)
      tpu.yield
    }) : () -> ()
    %barrier3A = arith.constant 0 : index
    tpu.barrier barrier_id(%barrier3A)
    %mul3A_3 = arith.constant 327680 : i32
    %mul3A_4 = arith.muli %arg0, %mul3A_3 : i32
    %mul3A_5 = arith.constant 20480 : i32
    %mul3A_6 = arith.muli %arg1, %mul3A_5 : i32
    %add3A = arith.addi %mul3A_4, %mul3A_6 : i32
    %iota3A = tpu.iota {dimensions = array<i32: 0>} : vector<16xi32>
    %add3A_7 = arith.constant 10000 : i32
    %add3A_8 = vector.broadcast %add3A_7 : i32 to vector<16xi32>
    %add3A_9 = arith.addi %iota3A, %add3A_8 : vector<16xi32>
    %swap3A = arith.constant 0 : index
    %swap3A_10 = tpu.vector_load %arg9[%swap3A] {strides = array<i32>} : memref<128xi32, #tpu.memory_space<vmem>>, vector<16xi32>,
    %swap3A_11 = vector.shape_cast %swap3A_10 : vector<16xi32> to vector<16xi32>
    %swap3A_12 = vector.shape_cast %add3A_9 : vector<16xi32> to vector<16xi32>
    tpu.vector_store %arg9[%swap3A], %swap3A_12 {strides = array<i32>} : memref<128xi32, #tpu.memory_space<vmem>>, vector<16xi32>,
    %add3A_13 = arith.constant 10000 : i32
    %add3A_14 = vector.broadcast %add3A_13 : i32 to vector<16xi32>
    %add3A_15 = arith.addi %iota3A, %add3A_14 : vector<16xi32>
    %swap3A_16 = arith.constant 0 : index
    %swap3A_17 = tpu.vector_load %arg10[%swap3A_16] {strides = array<i32>} : memref<128xi32, #tpu.memory_space<vmem>>, vector<16xi32>,
    %swap3A_18 = vector.shape_cast %swap3A_17 : vector<16xi32> to vector<16xi32>
    %swap3A_19 = vector.shape_cast %add3A_15 : vector<16xi32> to vector<16xi32>
    tpu.vector_store %arg10[%swap3A_16], %swap3A_19 {strides = array<i32>} : memref<128xi32, #tpu.memory_space<vmem>>, vector<16xi32>,
    %add3A_20 = arith.constant 10016 : i32
    %add3A_21 = vector.broadcast %add3A_20 : i32 to vector<16xi32>
    %add3A_22 = arith.addi %iota3A, %add3A_21 : vector<16xi32>
    %swap3A_23 = arith.constant 16 : index
    %swap3A_24 = tpu.vector_load %arg9[%swap3A_23] {strides = array<i32>} : memref<128xi32, #tpu.memory_space<vmem>>, vector<16xi32>,
    %swap3A_25 = vector.shape_cast %swap3A_24 : vector<16xi32> to vector<16xi32>
    %swap3A_26 = vector.shape_cast %add3A_22 : vector<16xi32> to vector<16xi32>
    tpu.vector_store %arg9[%swap3A_23], %swap3A_26 {strides = array<i32>} : memref<128xi32, #tpu.memory_space<vmem>>, vector<16xi32>,
    %add3A_27 = arith.constant 10016 : i32
    %add3A_28 = vector.broadcast %add3A_27 : i32 to vector<16xi32>
    %add3A_29 = arith.addi %iota3A, %add3A_28 : vector<16xi32>
    %swap3A_30 = arith.constant 16 : index
    %swap3A_31 = tpu.vector_load %arg10[%swap3A_30] {strides = array<i32>} : memref<128xi32, #tpu.memory_space<vmem>>, vector<16xi32>,
    %swap3A_32 = vector.shape_cast %swap3A_31 : vector<16xi32> to vector<16xi32>
    %swap3A_33 = vector.shape_cast %add3A_29 : vector<16xi32> to vector<16xi32>
    tpu.vector_store %arg10[%swap3A_30], %swap3A_33 {strides = array<i32>} : memref<128xi32, #tpu.memory_space<vmem>>, vector<16xi32>,
    %add3A_34 = arith.constant 10032 : i32
    %add3A_35 = vector.broadcast %add3A_34 : i32 to vector<16xi32>
    %add3A_36 = arith.addi %iota3A, %add3A_35 : vector<16xi32>
    %swap3A_37 = arith.constant 32 : index
    %swap3A_38 = tpu.vector_load %arg9[%swap3A_37] {strides = array<i32>} : memref<128xi32, #tpu.memory_space<vmem>>, vector<16xi32>,
    %swap3A_39 = vector.shape_cast %swap3A_38 : vector<16xi32> to vector<16xi32>
    %swap3A_40 = vector.shape_cast %add3A_36 : vector<16xi32> to vector<16xi32>
    tpu.vector_store %arg9[%swap3A_37], %swap3A_40 {strides = array<i32>} : memref<128xi32, #tpu.memory_space<vmem>>, vector<16xi32>,
    %add3A_41 = arith.constant 10032 : i32
    %add3A_42 = vector.broadcast %add3A_41 : i32 to vector<16xi32>
    %add3A_43 = arith.addi %iota3A, %add3A_42 : vector<16xi32>
    %swap3A_44 = arith.constant 32 : index
    %swap3A_45 = tpu.vector_load %arg10[%swap3A_44] {strides = array<i32>} : memref<128xi32, #tpu.memory_space<vmem>>, vector<16xi32>,
    %swap3A_46 = vector.shape_cast %swap3A_45 : vector<16xi32> to vector<16xi32>
    %swap3A_47 = vector.shape_cast %add3A_43 : vector<16xi32> to vector<16xi32>
    tpu.vector_store %arg10[%swap3A_44], %swap3A_47 {strides = array<i32>} : memref<128xi32, #tpu.memory_space<vmem>>, vector<16xi32>,
    %add3A_48 = arith.constant 10048 : i32
    %add3A_49 = vector.broadcast %add3A_48 : i32 to vector<16xi32>
    %add3A_50 = arith.addi %iota3A, %add3A_49 : vector<16xi32>
    %swap3A_51 = arith.constant 48 : index
    %swap3A_52 = tpu.vector_load %arg9[%swap3A_51] {strides = array<i32>} : memref<128xi32, #tpu.memory_space<vmem>>, vector<16xi32>,
    %swap3A_53 = vector.shape_cast %swap3A_52 : vector<16xi32> to vector<16xi32>
    %swap3A_54 = vector.shape_cast %add3A_50 : vector<16xi32> to vector<16xi32>
    tpu.vector_store %arg9[%swap3A_51], %swap3A_54 {strides = array<i32>} : memref<128xi32, #tpu.memory_space<vmem>>, vector<16xi32>,
    %add3A_55 = arith.constant 10048 : i32
    %add3A_56 = vector.broadcast %add3A_55 : i32 to vector<16xi32>
    %add3A_57 = arith.addi %iota3A, %add3A_56 : vector<16xi32>
    %swap3A_58 = arith.constant 48 : index
    %swap3A_59 = tpu.vector_load %arg10[%swap3A_58] {strides = array<i32>} : memref<128xi32, #tpu.memory_space<vmem>>, vector<16xi32>,
    %swap3A_60 = vector.shape_cast %swap3A_59 : vector<16xi32> to vector<16xi32>
    %swap3A_61 = vector.shape_cast %add3A_57 : vector<16xi32> to vector<16xi32>
    tpu.vector_store %arg10[%swap3A_58], %swap3A_61 {strides = array<i32>} : memref<128xi32, #tpu.memory_space<vmem>>, vector<16xi32>,
    %add3A_62 = arith.constant 10064 : i32
    %add3A_63 = vector.broadcast %add3A_62 : i32 to vector<16xi32>
    %add3A_64 = arith.addi %iota3A, %add3A_63 : vector<16xi32>
    %swap3A_65 = arith.constant 64 : index
    %swap3A_66 = tpu.vector_load %arg9[%swap3A_65] {strides = array<i32>} : memref<128xi32, #tpu.memory_space<vmem>>, vector<16xi32>,
    %swap3A_67 = vector.shape_cast %swap3A_66 : vector<16xi32> to vector<16xi32>
    %swap3A_68 = vector.shape_cast %add3A_64 : vector<16xi32> to vector<16xi32>
    tpu.vector_store %arg9[%swap3A_65], %swap3A_68 {strides = array<i32>} : memref<128xi32, #tpu.memory_space<vmem>>, vector<16xi32>,
    %add3A_69 = arith.constant 10064 : i32
    %add3A_70 = vector.broadcast %add3A_69 : i32 to vector<16xi32>
    %add3A_71 = arith.addi %iota3A, %add3A_70 : vector<16xi32>
    %swap3A_72 = arith.constant 64 : index
    %swap3A_73 = tpu.vector_load %arg10[%swap3A_72] {strides = array<i32>} : memref<128xi32, #tpu.memory_space<vmem>>, vector<16xi32>,
    %swap3A_74 = vector.shape_cast %swap3A_73 : vector<16xi32> to vector<16xi32>
    %swap3A_75 = vector.shape_cast %add3A_71 : vector<16xi32> to vector<16xi32>
    tpu.vector_store %arg10[%swap3A_72], %swap3A_75 {strides = array<i32>} : memref<128xi32, #tpu.memory_space<vmem>>, vector<16xi32>,
    %add3A_76 = arith.constant 10080 : i32
    %add3A_77 = vector.broadcast %add3A_76 : i32 to vector<16xi32>
    %add3A_78 = arith.addi %iota3A, %add3A_77 : vector<16xi32>
    %swap3A_79 = arith.constant 80 : index
    %swap3A_80 = tpu.vector_load %arg9[%swap3A_79] {strides = array<i32>} : memref<128xi32, #tpu.memory_space<vmem>>, vector<16xi32>,
    %swap3A_81 = vector.shape_cast %swap3A_80 : vector<16xi32> to vector<16xi32>
    %swap3A_82 = vector.shape_cast %add3A_78 : vector<16xi32> to vector<16xi32>
    tpu.vector_store %arg9[%swap3A_79], %swap3A_82 {strides = array<i32>} : memref<128xi32, #tpu.memory_space<vmem>>, vector<16xi32>,
    %add3A_83 = arith.constant 10080 : i32
    %add3A_84 = vector.broadcast %add3A_83 : i32 to vector<16xi32>
    %add3A_85 = arith.addi %iota3A, %add3A_84 : vector<16xi32>
    %swap3A_86 = arith.constant 80 : index
    %swap3A_87 = tpu.vector_load %arg10[%swap3A_86] {strides = array<i32>} : memref<128xi32, #tpu.memory_space<vmem>>, vector<16xi32>,
    %swap3A_88 = vector.shape_cast %swap3A_87 : vector<16xi32> to vector<16xi32>
    %swap3A_89 = vector.shape_cast %add3A_85 : vector<16xi32> to vector<16xi32>
    tpu.vector_store %arg10[%swap3A_86], %swap3A_89 {strides = array<i32>} : memref<128xi32, #tpu.memory_space<vmem>>, vector<16xi32>,
    %add3A_90 = arith.constant 10096 : i32
    %add3A_91 = vector.broadcast %add3A_90 : i32 to vector<16xi32>
    %add3A_92 = arith.addi %iota3A, %add3A_91 : vector<16xi32>
    %swap3A_93 = arith.constant 96 : index
    %swap3A_94 = tpu.vector_load %arg9[%swap3A_93] {strides = array<i32>} : memref<128xi32, #tpu.memory_space<vmem>>, vector<16xi32>,
    %swap3A_95 = vector.shape_cast %swap3A_94 : vector<16xi32> to vector<16xi32>
    %swap3A_96 = vector.shape_cast %add3A_92 : vector<16xi32> to vector<16xi32>
    tpu.vector_store %arg9[%swap3A_93], %swap3A_96 {strides = array<i32>} : memref<128xi32, #tpu.memory_space<vmem>>, vector<16xi32>,
    %add3A_97 = arith.constant 10096 : i32
    %add3A_98 = vector.broadcast %add3A_97 : i32 to vector<16xi32>
    %add3A_99 = arith.addi %iota3A, %add3A_98 : vector<16xi32>
    %swap3A_100 = arith.constant 96 : index
    %swap3A_101 = tpu.vector_load %arg10[%swap3A_100] {strides = array<i32>} : memref<128xi32, #tpu.memory_space<vmem>>, vector<16xi32>,
    %swap3A_102 = vector.shape_cast %swap3A_101 : vector<16xi32> to vector<16xi32>
    %swap3A_103 = vector.shape_cast %add3A_99 : vector<16xi32> to vector<16xi32>
    tpu.vector_store %arg10[%swap3A_100], %swap3A_103 {strides = array<i32>} : memref<128xi32, #tpu.memory_space<vmem>>, vector<16xi32>,
    %add3A_104 = arith.constant 10112 : i32
    %add3A_105 = vector.broadcast %add3A_104 : i32 to vector<16xi32>
    %add3A_106 = arith.addi %iota3A, %add3A_105 : vector<16xi32>
    %swap3A_107 = arith.constant 112 : index
    %swap3A_108 = tpu.vector_load %arg9[%swap3A_107] {strides = array<i32>} : memref<128xi32, #tpu.memory_space<vmem>>, vector<16xi32>,
    %swap3A_109 = vector.shape_cast %swap3A_108 : vector<16xi32> to vector<16xi32>
    %swap3A_110 = vector.shape_cast %add3A_106 : vector<16xi32> to vector<16xi32>
    tpu.vector_store %arg9[%swap3A_107], %swap3A_110 {strides = array<i32>} : memref<128xi32, #tpu.memory_space<vmem>>, vector<16xi32>,
    %add3A_111 = arith.constant 10112 : i32
    %add3A_112 = vector.broadcast %add3A_111 : i32 to vector<16xi32>
    %add3A_113 = arith.addi %iota3A, %add3A_112 : vector<16xi32>
    %swap3A_114 = arith.constant 112 : index
    %swap3A_115 = tpu.vector_load %arg10[%swap3A_114] {strides = array<i32>} : memref<128xi32, #tpu.memory_space<vmem>>, vector<16xi32>,
    %swap3A_116 = vector.shape_cast %swap3A_115 : vector<16xi32> to vector<16xi32>
    %swap3A_117 = vector.shape_cast %add3A_113 : vector<16xi32> to vector<16xi32>
    tpu.vector_store %arg10[%swap3A_114], %swap3A_117 {strides = array<i32>} : memref<128xi32, #tpu.memory_space<vmem>>, vector<16xi32>,
    %dma_start3A = arith.constant 0 : i32
    %dma_start3A_118 = arith.constant 0 : i32
    %dma_start3A_119 = tpu.memref_slice %arg13[%dma_start3A, %dma_start3A_118] : memref<10240x128xf32, #tpu.memory_space<vmem_shared>> -> memref<10240x128xf32, #tpu.memory_space<vmem_shared>>
    tpu.enqueue_indirect_dma source(%arg11 : memref<128x128xf32, #tpu.memory_space<vmem>>) target(%dma_start3A_119 : memref<10240x128xf32, #tpu.memory_space<vmem_shared>>) offsets(%arg9 : memref<128xi32, #tpu.memory_space<vmem>>) semaphore(%arg16 : memref<!tpu.dma_semaphore, #tpu.memory_space<semaphore_mem>>) {add = true}
    %dma_start3A_120 = arith.constant 0 : i32
    %dma_start3A_121 = arith.constant 0 : i32
    %dma_start3A_122 = tpu.memref_slice %arg13[%dma_start3A_120, %dma_start3A_121] : memref<10240x128xf32, #tpu.memory_space<vmem_shared>> -> memref<10240x128xf32, #tpu.memory_space<vmem_shared>>
    tpu.enqueue_indirect_dma source(%arg12 : memref<128x128xf32, #tpu.memory_space<vmem>>) target(%dma_start3A_122 : memref<10240x128xf32, #tpu.memory_space<vmem_shared>>) offsets(%arg10 : memref<128xi32, #tpu.memory_space<vmem>>) semaphore(%arg17 : memref<!tpu.dma_semaphore, #tpu.memory_space<semaphore_mem>>) {add = true}
    %scan3A = arith.constant 0 : i32
    %scan3A_123 = arith.constant 0 : i32
    %scan3A_124 = arith.constant 80 : i32
    %scan3A_125 = arith.addi %scan3A_123, %scan3A_124 : i32
    %scan3A_126 = arith.constant 1 : i32
    scf.for %scan3A_138 = %scan3A_123 to %scan3A_125 step %scan3A_126  : i32 {
      %mul3A_139 = arith.constant 2 : i32
      %mul3A_140 = arith.muli %mul3A_139, %scan3A_138 : i32
      %mul3A_141 = arith.constant 128 : i32
      %mul3A_142 = arith.muli %mul3A_140, %mul3A_141 : i32
      %add3A_143 = arith.addi %add3A, %mul3A_142 : i32
      %multiple_of3A = tpu.assume_multiple %add3A_143, 8 : i32
      %mul3A_144 = arith.constant 2 : i32
      %mul3A_145 = arith.muli %mul3A_144, %scan3A_138 : i32
      %add3A_146 = arith.constant 1 : i32
      %add3A_147 = arith.addi %mul3A_145, %add3A_146 : i32
      %mul3A_148 = arith.constant 128 : i32
      %mul3A_149 = arith.muli %add3A_147, %mul3A_148 : i32
      %add3A_150 = arith.addi %add3A, %mul3A_149 : i32
      %multiple_of3A_151 = tpu.assume_multiple %add3A_150, 8 : i32
      %dma_wait3A_152 = arith.constant 0 : i32
      %dma_wait3A_153 = arith.constant 0 : i32
      %dma_wait3A_154 = tpu.memref_slice %arg13[%dma_wait3A_152, %dma_wait3A_153] : memref<10240x128xf32, #tpu.memory_space<vmem_shared>> -> memref<10240x128xf32, #tpu.memory_space<vmem_shared>>
      tpu.wait_indirect_dma semaphore(%arg16 : memref<!tpu.dma_semaphore, #tpu.memory_space<semaphore_mem>>) src(%arg11 : memref<128x128xf32, #tpu.memory_space<vmem>>) dst(%dma_wait3A_154 : memref<10240x128xf32, #tpu.memory_space<vmem_shared>>)
      "tpu.region"() ({
        %run_scoped3A = tpu.sem_alloc : memref<!tpu.dma_semaphore, #tpu.memory_space<semaphore_mem>>
        %dma_start3A_176 = tpu.memref_slice %arg3[%multiple_of3A] : memref<655360xi32, #tpu.memory_space<hbm>> -> memref<128xi32, #tpu.memory_space<hbm>>
        %dma_start3A_177 = tpu.memref_slice %arg3[%multiple_of3A] : memref<655360xi32, #tpu.memory_space<hbm>> -> memref<128xi32, #tpu.memory_space<hbm>>
        tpu.enqueue_dma source(%dma_start3A_177 : memref<128xi32, #tpu.memory_space<hbm>>) target(%arg7 : memref<128xi32, #tpu.memory_space<vmem>>) target_semaphore(%run_scoped3A : memref<!tpu.dma_semaphore, #tpu.memory_space<semaphore_mem>>)
        %dma_wait3A_178 = tpu.memref_slice %arg3[%multiple_of3A] : memref<655360xi32, #tpu.memory_space<hbm>> -> memref<128xi32, #tpu.memory_space<hbm>>
        %dma_wait3A_179 = tpu.memref_slice %arg3[%multiple_of3A] : memref<655360xi32, #tpu.memory_space<hbm>> -> memref<128xi32, #tpu.memory_space<hbm>>
        tpu.wait_dma2 semaphore(%run_scoped3A : memref<!tpu.dma_semaphore, #tpu.memory_space<semaphore_mem>>) src(%dma_wait3A_179 : memref<128xi32, #tpu.memory_space<hbm>>) dst(%arg7 : memref<128xi32, #tpu.memory_space<vmem>>)
        tpu.yield
      }) : () -> ()
      %dma_start3A_155 = arith.constant 0 : i32
      %dma_start3A_156 = arith.constant 0 : i32
      %dma_start3A_157 = tpu.memref_slice %arg2[%dma_start3A_155, %dma_start3A_156] : memref<20000x128xf32, #tpu.memory_space<hbm>> -> memref<20000x128xf32, #tpu.memory_space<hbm>>
      tpu.enqueue_indirect_dma source(%dma_start3A_157 : memref<20000x128xf32, #tpu.memory_space<hbm>>) target(%arg11 : memref<128x128xf32, #tpu.memory_space<vmem>>) offsets(%arg7 : memref<128xi32, #tpu.memory_space<vmem>>) semaphore(%arg14 : memref<!tpu.dma_semaphore, #tpu.memory_space<semaphore_mem>>)
      %dma_wait3A_158 = arith.constant 0 : i32
      %dma_wait3A_159 = arith.constant 0 : i32
      %dma_wait3A_160 = tpu.memref_slice %arg13[%dma_wait3A_158, %dma_wait3A_159] : memref<10240x128xf32, #tpu.memory_space<vmem_shared>> -> memref<10240x128xf32, #tpu.memory_space<vmem_shared>>
      tpu.wait_indirect_dma semaphore(%arg17 : memref<!tpu.dma_semaphore, #tpu.memory_space<semaphore_mem>>) src(%arg12 : memref<128x128xf32, #tpu.memory_space<vmem>>) dst(%dma_wait3A_160 : memref<10240x128xf32, #tpu.memory_space<vmem_shared>>)
      "tpu.region"() ({
        %run_scoped3A = tpu.sem_alloc : memref<!tpu.dma_semaphore, #tpu.memory_space<semaphore_mem>>
        %dma_start3A_176 = tpu.memref_slice %arg3[%multiple_of3A_151] : memref<655360xi32, #tpu.memory_space<hbm>> -> memref<128xi32, #tpu.memory_space<hbm>>
        %dma_start3A_177 = tpu.memref_slice %arg3[%multiple_of3A_151] : memref<655360xi32, #tpu.memory_space<hbm>> -> memref<128xi32, #tpu.memory_space<hbm>>
        tpu.enqueue_dma source(%dma_start3A_177 : memref<128xi32, #tpu.memory_space<hbm>>) target(%arg8 : memref<128xi32, #tpu.memory_space<vmem>>) target_semaphore(%run_scoped3A : memref<!tpu.dma_semaphore, #tpu.memory_space<semaphore_mem>>)
        %dma_wait3A_178 = tpu.memref_slice %arg3[%multiple_of3A_151] : memref<655360xi32, #tpu.memory_space<hbm>> -> memref<128xi32, #tpu.memory_space<hbm>>
        %dma_wait3A_179 = tpu.memref_slice %arg3[%multiple_of3A_151] : memref<655360xi32, #tpu.memory_space<hbm>> -> memref<128xi32, #tpu.memory_space<hbm>>
        tpu.wait_dma2 semaphore(%run_scoped3A : memref<!tpu.dma_semaphore, #tpu.memory_space<semaphore_mem>>) src(%dma_wait3A_179 : memref<128xi32, #tpu.memory_space<hbm>>) dst(%arg8 : memref<128xi32, #tpu.memory_space<vmem>>)
        tpu.yield
      }) : () -> ()
      %dma_start3A_161 = arith.constant 0 : i32
      %dma_start3A_162 = arith.constant 0 : i32
      %dma_start3A_163 = tpu.memref_slice %arg2[%dma_start3A_161, %dma_start3A_162] : memref<20000x128xf32, #tpu.memory_space<hbm>> -> memref<20000x128xf32, #tpu.memory_space<hbm>>
      tpu.enqueue_indirect_dma source(%dma_start3A_163 : memref<20000x128xf32, #tpu.memory_space<hbm>>) target(%arg12 : memref<128x128xf32, #tpu.memory_space<vmem>>) offsets(%arg8 : memref<128xi32, #tpu.memory_space<vmem>>) semaphore(%arg15 : memref<!tpu.dma_semaphore, #tpu.memory_space<semaphore_mem>>)
      "tpu.region"() ({
        %run_scoped3A = tpu.sem_alloc : memref<!tpu.dma_semaphore, #tpu.memory_space<semaphore_mem>>
        %dma_start3A_176 = tpu.memref_slice %arg4[%multiple_of3A] : memref<655360xi32, #tpu.memory_space<hbm>> -> memref<128xi32, #tpu.memory_space<hbm>>
        %dma_start3A_177 = tpu.memref_slice %arg4[%multiple_of3A] : memref<655360xi32, #tpu.memory_space<hbm>> -> memref<128xi32, #tpu.memory_space<hbm>>
        tpu.enqueue_dma source(%dma_start3A_177 : memref<128xi32, #tpu.memory_space<hbm>>) target(%arg9 : memref<128xi32, #tpu.memory_space<vmem>>) target_semaphore(%run_scoped3A : memref<!tpu.dma_semaphore, #tpu.memory_space<semaphore_mem>>)
        %dma_wait3A_178 = tpu.memref_slice %arg4[%multiple_of3A] : memref<655360xi32, #tpu.memory_space<hbm>> -> memref<128xi32, #tpu.memory_space<hbm>>
        %dma_wait3A_179 = tpu.memref_slice %arg4[%multiple_of3A] : memref<655360xi32, #tpu.memory_space<hbm>> -> memref<128xi32, #tpu.memory_space<hbm>>
        tpu.wait_dma2 semaphore(%run_scoped3A : memref<!tpu.dma_semaphore, #tpu.memory_space<semaphore_mem>>) src(%dma_wait3A_179 : memref<128xi32, #tpu.memory_space<hbm>>) dst(%arg9 : memref<128xi32, #tpu.memory_space<vmem>>)
        tpu.yield
      }) : () -> ()
      "tpu.region"() ({
        %run_scoped3A = tpu.sem_alloc : memref<!tpu.dma_semaphore, #tpu.memory_space<semaphore_mem>>
        %dma_start3A_176 = tpu.memref_slice %arg4[%multiple_of3A_151] : memref<655360xi32, #tpu.memory_space<hbm>> -> memref<128xi32, #tpu.memory_space<hbm>>
        %dma_start3A_177 = tpu.memref_slice %arg4[%multiple_of3A_151] : memref<655360xi32, #tpu.memory_space<hbm>> -> memref<128xi32, #tpu.memory_space<hbm>>
        tpu.enqueue_dma source(%dma_start3A_177 : memref<128xi32, #tpu.memory_space<hbm>>) target(%arg10 : memref<128xi32, #tpu.memory_space<vmem>>) target_semaphore(%run_scoped3A : memref<!tpu.dma_semaphore, #tpu.memory_space<semaphore_mem>>)
        %dma_wait3A_178 = tpu.memref_slice %arg4[%multiple_of3A_151] : memref<655360xi32, #tpu.memory_space<hbm>> -> memref<128xi32, #tpu.memory_space<hbm>>
        %dma_wait3A_179 = tpu.memref_slice %arg4[%multiple_of3A_151] : memref<655360xi32, #tpu.memory_space<hbm>> -> memref<128xi32, #tpu.memory_space<hbm>>
        tpu.wait_dma2 semaphore(%run_scoped3A : memref<!tpu.dma_semaphore, #tpu.memory_space<semaphore_mem>>) src(%dma_wait3A_179 : memref<128xi32, #tpu.memory_space<hbm>>) dst(%arg10 : memref<128xi32, #tpu.memory_space<vmem>>)
        tpu.yield
      }) : () -> ()
      %dma_wait3A_164 = arith.constant 0 : i32
      %dma_wait3A_165 = arith.constant 0 : i32
      %dma_wait3A_166 = tpu.memref_slice %arg2[%dma_wait3A_164, %dma_wait3A_165] : memref<20000x128xf32, #tpu.memory_space<hbm>> -> memref<20000x128xf32, #tpu.memory_space<hbm>>
      tpu.wait_indirect_dma semaphore(%arg14 : memref<!tpu.dma_semaphore, #tpu.memory_space<semaphore_mem>>) src(%dma_wait3A_166 : memref<20000x128xf32, #tpu.memory_space<hbm>>) dst(%arg11 : memref<128x128xf32, #tpu.memory_space<vmem>>)
      %dma_start3A_167 = arith.constant 0 : i32
      %dma_start3A_168 = arith.constant 0 : i32
      %dma_start3A_169 = tpu.memref_slice %arg13[%dma_start3A_167, %dma_start3A_168] : memref<10240x128xf32, #tpu.memory_space<vmem_shared>> -> memref<10240x128xf32, #tpu.memory_space<vmem_shared>>
      tpu.enqueue_indirect_dma source(%arg11 : memref<128x128xf32, #tpu.memory_space<vmem>>) target(%dma_start3A_169 : memref<10240x128xf32, #tpu.memory_space<vmem_shared>>) offsets(%arg9 : memref<128xi32, #tpu.memory_space<vmem>>) semaphore(%arg16 : memref<!tpu.dma_semaphore, #tpu.memory_space<semaphore_mem>>) {add = true}
      %dma_wait3A_170 = arith.constant 0 : i32
      %dma_wait3A_171 = arith.constant 0 : i32
      %dma_wait3A_172 = tpu.memref_slice %arg2[%dma_wait3A_170, %dma_wait3A_171] : memref<20000x128xf32, #tpu.memory_space<hbm>> -> memref<20000x128xf32, #tpu.memory_space<hbm>>
      tpu.wait_indirect_dma semaphore(%arg15 : memref<!tpu.dma_semaphore, #tpu.memory_space<semaphore_mem>>) src(%dma_wait3A_172 : memref<20000x128xf32, #tpu.memory_space<hbm>>) dst(%arg12 : memref<128x128xf32, #tpu.memory_space<vmem>>)
      %dma_start3A_173 = arith.constant 0 : i32
      %dma_start3A_174 = arith.constant 0 : i32
      %dma_start3A_175 = tpu.memref_slice %arg13[%dma_start3A_173, %dma_start3A_174] : memref<10240x128xf32, #tpu.memory_space<vmem_shared>> -> memref<10240x128xf32, #tpu.memory_space<vmem_shared>>
      tpu.enqueue_indirect_dma source(%arg12 : memref<128x128xf32, #tpu.memory_space<vmem>>) target(%dma_start3A_175 : memref<10240x128xf32, #tpu.memory_space<vmem_shared>>) offsets(%arg10 : memref<128xi32, #tpu.memory_space<vmem>>) semaphore(%arg17 : memref<!tpu.dma_semaphore, #tpu.memory_space<semaphore_mem>>) {add = true}
    }
    %scan3A_127 = arith.constant 80 : i32
    %dma_wait3A = arith.constant 0 : i32
    %dma_wait3A_128 = arith.constant 0 : i32
    %dma_wait3A_129 = tpu.memref_slice %arg13[%dma_wait3A, %dma_wait3A_128] : memref<10240x128xf32, #tpu.memory_space<vmem_shared>> -> memref<10240x128xf32, #tpu.memory_space<vmem_shared>>
    tpu.wait_indirect_dma semaphore(%arg16 : memref<!tpu.dma_semaphore, #tpu.memory_space<semaphore_mem>>) src(%arg11 : memref<128x128xf32, #tpu.memory_space<vmem>>) dst(%dma_wait3A_129 : memref<10240x128xf32, #tpu.memory_space<vmem_shared>>)
    %dma_wait3A_130 = arith.constant 0 : i32
    %dma_wait3A_131 = arith.constant 0 : i32
    %dma_wait3A_132 = tpu.memref_slice %arg13[%dma_wait3A_130, %dma_wait3A_131] : memref<10240x128xf32, #tpu.memory_space<vmem_shared>> -> memref<10240x128xf32, #tpu.memory_space<vmem_shared>>
    tpu.wait_indirect_dma semaphore(%arg17 : memref<!tpu.dma_semaphore, #tpu.memory_space<semaphore_mem>>) src(%arg12 : memref<128x128xf32, #tpu.memory_space<vmem>>) dst(%dma_wait3A_132 : memref<10240x128xf32, #tpu.memory_space<vmem_shared>>)
    %barrier3A_133 = arith.constant 0 : index
    tpu.barrier barrier_id(%barrier3A_133)
    %mul3A_134 = arith.constant 640 : i32
    %mul3A_135 = arith.muli %arg1, %mul3A_134 : i32
    %mul3A_136 = arith.constant 640 : i32
    %mul3A_137 = arith.muli %arg1, %mul3A_136 : i32
    "tpu.region"() ({
      %run_scoped3A = tpu.sem_alloc : memref<!tpu.dma_semaphore, #tpu.memory_space<semaphore_mem>>
      %dma_start3A_138 = arith.constant 0 : i32
      %dma_start3A_139 = tpu.memref_slice %arg6[%arg0, %mul3A_137, %dma_start3A_138] : memref<2x10240x128xf32, #tpu.memory_space<hbm>> -> memref<1x640x128xf32, #tpu.memory_space<hbm>>
      %dma_start3A_140 = tpu.memref_squeeze %dma_start3A_139 : memref<1x640x128xf32, #tpu.memory_space<hbm>> -> memref<640x128xf32, #tpu.memory_space<hbm>>
      %dma_start3A_141 = arith.constant 0 : i32
      %dma_start3A_142 = tpu.memref_slice %arg13[%mul3A_135, %dma_start3A_141] : memref<10240x128xf32, #tpu.memory_space<vmem_shared>> -> memref<640x128xf32, #tpu.memory_space<vmem_shared>>
      tpu.enqueue_dma source(%dma_start3A_142 : memref<640x128xf32, #tpu.memory_space<vmem_shared>>) target(%dma_start3A_140 : memref<640x128xf32, #tpu.memory_space<hbm>>) target_semaphore(%run_scoped3A : memref<!tpu.dma_semaphore, #tpu.memory_space<semaphore_mem>>)
      %dma_wait3A_143 = arith.constant 0 : i32
      %dma_wait3A_144 = tpu.memref_slice %arg6[%arg0, %mul3A_137, %dma_wait3A_143] : memref<2x10240x128xf32, #tpu.memory_space<hbm>> -> memref<1x640x128xf32, #tpu.memory_space<hbm>>
      %dma_wait3A_145 = tpu.memref_squeeze %dma_wait3A_144 : memref<1x640x128xf32, #tpu.memory_space<hbm>> -> memref<640x128xf32, #tpu.memory_space<hbm>>
      %dma_wait3A_146 = arith.constant 0 : i32
      %dma_wait3A_147 = tpu.memref_slice %arg13[%mul3A_135, %dma_wait3A_146] : memref<10240x128xf32, #tpu.memory_space<vmem_shared>> -> memref<640x128xf32, #tpu.memory_space<vmem_shared>>
      tpu.wait_dma2 semaphore(%run_scoped3A : memref<!tpu.dma_semaphore, #tpu.memory_space<semaphore_mem>>) src(%dma_wait3A_147 : memref<640x128xf32, #tpu.memory_space<vmem_shared>>) dst(%dma_wait3A_145 : memref<640x128xf32, #tpu.memory_space<hbm>>)
      tpu.yield
    }) : () -> ()
    return
  }
}

module attributes {stable_mosaic.version = 14 : i64} {
  func.func @_mlp1_body(%arg0: i32, %arg1: memref<400x128xf32, #tpu.memory_space<vmem>>, %arg2: memref<2x400x128xf32, #tpu.memory_space<vmem>>, %arg3: memref<128x256xf32, #tpu.memory_space<vmem>>, %arg4: memref<1x256xf32, #tpu.memory_space<vmem>>, %arg5: memref<256x256xf32, #tpu.memory_space<vmem>>, %arg6: memref<1x256xf32, #tpu.memory_space<vmem>>, %arg7: memref<400x256xf32, #tpu.memory_space<vmem>>) attributes {dimension_semantics = [#tpu.dimension_semantics<arbitrary>], iteration_bounds = array<i64: 25>, scalar_prefetch = 0 : i64, scratch_operands = 0 : i64, tpu.core_type = #tpu.core_type<tc>, window_params = [{transform_indices = @transform_0, window_bounds = array<i64: 400, 128>}, {transform_indices = @transform_1, window_bounds = array<i64: 2, 400, 128>}, {pipeline_mode = #tpu.pipeline_mode<synchronous>, transform_indices = @transform_2, window_bounds = array<i64: 128, 256>}, {pipeline_mode = #tpu.pipeline_mode<synchronous>, transform_indices = @transform_3, window_bounds = array<i64: 1, 256>}, {pipeline_mode = #tpu.pipeline_mode<synchronous>, transform_indices = @transform_4, window_bounds = array<i64: 256, 256>}, {pipeline_mode = #tpu.pipeline_mode<synchronous>, transform_indices = @transform_5, window_bounds = array<i64: 1, 256>}, {transform_indices = @transform_6, window_bounds = array<i64: 400, 256>}]} {
    %get3A = arith.constant 0 : index
    %get3A_0 = arith.constant 0 : index
    %get3A_1 = vector.load %arg1[%get3A, %get3A_0] : memref<400x128xf32, #tpu.memory_space<vmem>>, vector<400x128xf32>
    %get3A_2 = arith.constant 0 : index
    %get3A_3 = arith.constant 0 : index
    %get3A_4 = arith.constant 0 : index
    %get3A_5 = vector.load %arg2[%get3A_2, %get3A_3, %get3A_4] : memref<2x400x128xf32, #tpu.memory_space<vmem>>, vector<1x400x128xf32>
    %get3A_6 = vector.shape_cast %get3A_5 : vector<1x400x128xf32> to vector<400x128xf32>
    %add3A = arith.addf %get3A_1, %get3A_6 : vector<400x128xf32>
    %get3A_7 = arith.constant 1 : index
    %get3A_8 = arith.constant 0 : index
    %get3A_9 = arith.constant 0 : index
    %get3A_10 = vector.load %arg2[%get3A_7, %get3A_8, %get3A_9] : memref<2x400x128xf32, #tpu.memory_space<vmem>>, vector<1x400x128xf32>
    %get3A_11 = vector.shape_cast %get3A_10 : vector<1x400x128xf32> to vector<400x128xf32>
    %add3A_12 = arith.addf %add3A, %get3A_11 : vector<400x128xf32>
    %get3A_13 = arith.constant 0 : index
    %get3A_14 = arith.constant 0 : index
    %get3A_15 = vector.load %arg3[%get3A_13, %get3A_14] : memref<128x256xf32, #tpu.memory_space<vmem>>, vector<128x256xf32>
    %dot_general3A = arith.constant dense<0.000000e+00> : vector<400x256xf32>
    %dot_general3A_16 = tpu.matmul %add3A_12, %get3A_15, %dot_general3A {dimension_numbers = #tpu.dot_dimension_numbers<[1], [0], [0], [1], [0, 0, 1, 1], [], []>, transpose_lhs_hint = false} : vector<400x128xf32>, vector<128x256xf32>, vector<400x256xf32> -> vector<400x256xf32>
    %get3A_17 = arith.constant 0 : index
    %get3A_18 = arith.constant 0 : index
    %get3A_19 = vector.load %arg4[%get3A_17, %get3A_18] : memref<1x256xf32, #tpu.memory_space<vmem>>, vector<1x256xf32>
    %add3A_20 = vector.broadcast %get3A_19 : vector<1x256xf32> to vector<400x256xf32>
    %add3A_21 = arith.addf %dot_general3A_16, %add3A_20 : vector<400x256xf32>
    %max3A = arith.constant 0.000000e+00 : f32
    %max3A_22 = vector.broadcast %max3A : f32 to vector<400x256xf32>
    %max3A_23 = arith.maximumf %add3A_21, %max3A_22 : vector<400x256xf32>
    %get3A_24 = arith.constant 0 : index
    %get3A_25 = arith.constant 0 : index
    %get3A_26 = vector.load %arg5[%get3A_24, %get3A_25] : memref<256x256xf32, #tpu.memory_space<vmem>>, vector<256x256xf32>
    %dot_general3A_27 = arith.constant dense<0.000000e+00> : vector<400x256xf32>
    %dot_general3A_28 = tpu.matmul %max3A_23, %get3A_26, %dot_general3A_27 {dimension_numbers = #tpu.dot_dimension_numbers<[1], [0], [0], [1], [0, 0, 1, 1], [], []>, transpose_lhs_hint = false} : vector<400x256xf32>, vector<256x256xf32>, vector<400x256xf32> -> vector<400x256xf32>
    %get3A_29 = arith.constant 0 : index
    %get3A_30 = arith.constant 0 : index
    %get3A_31 = vector.load %arg6[%get3A_29, %get3A_30] : memref<1x256xf32, #tpu.memory_space<vmem>>, vector<1x256xf32>
    %add3A_32 = vector.broadcast %get3A_31 : vector<1x256xf32> to vector<400x256xf32>
    %add3A_33 = arith.addf %dot_general3A_28, %add3A_32 : vector<400x256xf32>
    %max3A_34 = arith.constant 0.000000e+00 : f32
    %max3A_35 = vector.broadcast %max3A_34 : f32 to vector<400x256xf32>
    %max3A_36 = arith.maximumf %add3A_33, %max3A_35 : vector<400x256xf32>
    %swap3A = arith.constant 0 : index
    %swap3A_37 = arith.constant 0 : index
    %swap3A_38 = vector.load %arg7[%swap3A, %swap3A_37] : memref<400x256xf32, #tpu.memory_space<vmem>>, vector<400x256xf32>
    tpu.vector_store %arg7[%swap3A, %swap3A_37], %max3A_36 {strides = array<i32>} : memref<400x256xf32, #tpu.memory_space<vmem>>, vector<400x256xf32>,
    return
  }
  func.func @transform_0(%arg0: i32) -> (i32, i32) {
    %c0_i32 = arith.constant 0 : i32
    %c0_i32_0 = arith.constant 0 : i32
    return %arg0, %c0_i32 : i32, i32
  }
  func.func @transform_1(%arg0: i32) -> (i32, i32, i32) {
    %c0_i32 = arith.constant 0 : i32
    %c0_i32_0 = arith.constant 0 : i32
    %c0_i32_1 = arith.constant 0 : i32
    return %c0_i32, %arg0, %c0_i32_0 : i32, i32, i32
  }
  func.func @transform_2(%arg0: i32) -> (i32, i32) {
    %c0_i32 = arith.constant 0 : i32
    %c0_i32_0 = arith.constant 0 : i32
    %c0_i32_1 = arith.constant 0 : i32
    return %c0_i32, %c0_i32_0 : i32, i32
  }
  func.func @transform_3(%arg0: i32) -> (i32, i32) {
    %c0_i32 = arith.constant 0 : i32
    %c0_i32_0 = arith.constant 0 : i32
    %c0_i32_1 = arith.constant 0 : i32
    return %c0_i32, %c0_i32_0 : i32, i32
  }
  func.func @transform_4(%arg0: i32) -> (i32, i32) {
    %c0_i32 = arith.constant 0 : i32
    %c0_i32_0 = arith.constant 0 : i32
    %c0_i32_1 = arith.constant 0 : i32
    return %c0_i32, %c0_i32_0 : i32, i32
  }
  func.func @transform_5(%arg0: i32) -> (i32, i32) {
    %c0_i32 = arith.constant 0 : i32
    %c0_i32_0 = arith.constant 0 : i32
    %c0_i32_1 = arith.constant 0 : i32
    return %c0_i32, %c0_i32_0 : i32, i32
  }
  func.func @transform_6(%arg0: i32) -> (i32, i32) {
    %c0_i32 = arith.constant 0 : i32
    %c0_i32_0 = arith.constant 0 : i32
    return %arg0, %c0_i32 : i32, i32
  }
}

module attributes {stable_mosaic.version = 14 : i64} {
  func.func @_mlp2_body(%arg0: i32, %arg1: memref<400x256xf32, #tpu.memory_space<vmem>>, %arg2: memref<2x400x128xf32, #tpu.memory_space<vmem>>, %arg3: memref<256x256xf32, #tpu.memory_space<vmem>>, %arg4: memref<1x256xf32, #tpu.memory_space<vmem>>, %arg5: memref<256x128xf32, #tpu.memory_space<vmem>>, %arg6: memref<1x128xf32, #tpu.memory_space<vmem>>, %arg7: memref<400x128xf32, #tpu.memory_space<vmem>>) attributes {dimension_semantics = [#tpu.dimension_semantics<arbitrary>], iteration_bounds = array<i64: 25>, scalar_prefetch = 0 : i64, scratch_operands = 0 : i64, tpu.core_type = #tpu.core_type<tc>, window_params = [{transform_indices = @transform_0, window_bounds = array<i64: 400, 256>}, {transform_indices = @transform_1, window_bounds = array<i64: 2, 400, 128>}, {pipeline_mode = #tpu.pipeline_mode<synchronous>, transform_indices = @transform_2, window_bounds = array<i64: 256, 256>}, {pipeline_mode = #tpu.pipeline_mode<synchronous>, transform_indices = @transform_3, window_bounds = array<i64: 1, 256>}, {pipeline_mode = #tpu.pipeline_mode<synchronous>, transform_indices = @transform_4, window_bounds = array<i64: 256, 128>}, {pipeline_mode = #tpu.pipeline_mode<synchronous>, transform_indices = @transform_5, window_bounds = array<i64: 1, 128>}, {transform_indices = @transform_6, window_bounds = array<i64: 400, 128>}]} {
    %get3A = arith.constant 0 : index
    %get3A_0 = arith.constant 0 : index
    %get3A_1 = vector.load %arg1[%get3A, %get3A_0] : memref<400x256xf32, #tpu.memory_space<vmem>>, vector<400x256xf32>
    %get3A_2 = arith.constant 0 : index
    %get3A_3 = arith.constant 0 : index
    %get3A_4 = arith.constant 0 : index
    %get3A_5 = vector.load %arg2[%get3A_2, %get3A_3, %get3A_4] : memref<2x400x128xf32, #tpu.memory_space<vmem>>, vector<1x400x128xf32>
    %get3A_6 = vector.shape_cast %get3A_5 : vector<1x400x128xf32> to vector<400x128xf32>
    %get3A_7 = arith.constant 1 : index
    %get3A_8 = arith.constant 0 : index
    %get3A_9 = arith.constant 0 : index
    %get3A_10 = vector.load %arg2[%get3A_7, %get3A_8, %get3A_9] : memref<2x400x128xf32, #tpu.memory_space<vmem>>, vector<1x400x128xf32>
    %get3A_11 = vector.shape_cast %get3A_10 : vector<1x400x128xf32> to vector<400x128xf32>
    %concatenate3A = tpu.concatenate %get3A_6, %get3A_11 in 1 : vector<400x128xf32>, vector<400x128xf32> -> vector<400x256xf32>
    %add3A = arith.addf %get3A_1, %concatenate3A : vector<400x256xf32>
    %get3A_12 = arith.constant 0 : index
    %get3A_13 = arith.constant 0 : index
    %get3A_14 = vector.load %arg3[%get3A_12, %get3A_13] : memref<256x256xf32, #tpu.memory_space<vmem>>, vector<256x256xf32>
    %dot_general3A = arith.constant dense<0.000000e+00> : vector<400x256xf32>
    %dot_general3A_15 = tpu.matmul %add3A, %get3A_14, %dot_general3A {dimension_numbers = #tpu.dot_dimension_numbers<[1], [0], [0], [1], [0, 0, 1, 1], [], []>, transpose_lhs_hint = false} : vector<400x256xf32>, vector<256x256xf32>, vector<400x256xf32> -> vector<400x256xf32>
    %get3A_16 = arith.constant 0 : index
    %get3A_17 = arith.constant 0 : index
    %get3A_18 = vector.load %arg4[%get3A_16, %get3A_17] : memref<1x256xf32, #tpu.memory_space<vmem>>, vector<1x256xf32>
    %add3A_19 = vector.broadcast %get3A_18 : vector<1x256xf32> to vector<400x256xf32>
    %add3A_20 = arith.addf %dot_general3A_15, %add3A_19 : vector<400x256xf32>
    %max3A = arith.constant 0.000000e+00 : f32
    %max3A_21 = vector.broadcast %max3A : f32 to vector<400x256xf32>
    %max3A_22 = arith.maximumf %add3A_20, %max3A_21 : vector<400x256xf32>
    %get3A_23 = arith.constant 0 : index
    %get3A_24 = arith.constant 0 : index
    %get3A_25 = vector.load %arg5[%get3A_23, %get3A_24] : memref<256x128xf32, #tpu.memory_space<vmem>>, vector<256x128xf32>
    %dot_general3A_26 = arith.constant dense<0.000000e+00> : vector<400x128xf32>
    %dot_general3A_27 = tpu.matmul %max3A_22, %get3A_25, %dot_general3A_26 {dimension_numbers = #tpu.dot_dimension_numbers<[1], [0], [0], [1], [0, 0, 1, 1], [], []>, transpose_lhs_hint = false} : vector<400x256xf32>, vector<256x128xf32>, vector<400x128xf32> -> vector<400x128xf32>
    %get3A_28 = arith.constant 0 : index
    %get3A_29 = arith.constant 0 : index
    %get3A_30 = vector.load %arg6[%get3A_28, %get3A_29] : memref<1x128xf32, #tpu.memory_space<vmem>>, vector<1x128xf32>
    %add3A_31 = vector.broadcast %get3A_30 : vector<1x128xf32> to vector<400x128xf32>
    %add3A_32 = arith.addf %dot_general3A_27, %add3A_31 : vector<400x128xf32>
    %neg3A = arith.constant 0.000000e+00 : f32
    %neg3A_33 = vector.broadcast %neg3A : f32 to vector<400x128xf32>
    %neg3A_34 = arith.subf %neg3A_33, %add3A_32 : vector<400x128xf32>
    %exp3A = math.exp %neg3A_34 : vector<400x128xf32>
    %add3A_35 = arith.constant 1.000000e+00 : f32
    %add3A_36 = vector.broadcast %add3A_35 : f32 to vector<400x128xf32>
    %add3A_37 = arith.addf %add3A_36, %exp3A : vector<400x128xf32>
    %div3A = arith.constant 1.000000e+00 : f32
    %div3A_38 = vector.broadcast %div3A : f32 to vector<400x128xf32>
    %div3A_39 = arith.divf %div3A_38, %add3A_37 : vector<400x128xf32>
    %swap3A = arith.constant 0 : index
    %swap3A_40 = arith.constant 0 : index
    %swap3A_41 = vector.load %arg7[%swap3A, %swap3A_40] : memref<400x128xf32, #tpu.memory_space<vmem>>, vector<400x128xf32>
    tpu.vector_store %arg7[%swap3A, %swap3A_40], %div3A_39 {strides = array<i32>} : memref<400x128xf32, #tpu.memory_space<vmem>>, vector<400x128xf32>,
    return
  }
  func.func @transform_0(%arg0: i32) -> (i32, i32) {
    %c0_i32 = arith.constant 0 : i32
    %c0_i32_0 = arith.constant 0 : i32
    return %arg0, %c0_i32 : i32, i32
  }
  func.func @transform_1(%arg0: i32) -> (i32, i32, i32) {
    %c0_i32 = arith.constant 0 : i32
    %c0_i32_0 = arith.constant 0 : i32
    %c0_i32_1 = arith.constant 0 : i32
    return %c0_i32, %arg0, %c0_i32_0 : i32, i32, i32
  }
  func.func @transform_2(%arg0: i32) -> (i32, i32) {
    %c0_i32 = arith.constant 0 : i32
    %c0_i32_0 = arith.constant 0 : i32
    %c0_i32_1 = arith.constant 0 : i32
    return %c0_i32, %c0_i32_0 : i32, i32
  }
  func.func @transform_3(%arg0: i32) -> (i32, i32) {
    %c0_i32 = arith.constant 0 : i32
    %c0_i32_0 = arith.constant 0 : i32
    %c0_i32_1 = arith.constant 0 : i32
    return %c0_i32, %c0_i32_0 : i32, i32
  }
  func.func @transform_4(%arg0: i32) -> (i32, i32) {
    %c0_i32 = arith.constant 0 : i32
    %c0_i32_0 = arith.constant 0 : i32
    %c0_i32_1 = arith.constant 0 : i32
    return %c0_i32, %c0_i32_0 : i32, i32
  }
  func.func @transform_5(%arg0: i32) -> (i32, i32) {
    %c0_i32 = arith.constant 0 : i32
    %c0_i32_0 = arith.constant 0 : i32
    %c0_i32_1 = arith.constant 0 : i32
    return %c0_i32, %c0_i32_0 : i32, i32
  }
  func.func @transform_6(%arg0: i32) -> (i32, i32) {
    %c0_i32 = arith.constant 0 : i32
    %c0_i32_0 = arith.constant 0 : i32
    return %arg0, %c0_i32 : i32, i32
  }
}

</mosaic_0001>

<sc_bundles>
// kernel: kernel.6.cloned.1.call-start
scs
__scs_entry_jumppad:
0x0: {  	(pc) =	sbr.rel $0x88, $3  }
0x1: {  	(tag) =	ssettag $0x0;
	lr =	simm.s32 $0x1  }
0x2: {  	[smem:$0x3F97] =	sst lr;
	_ =	strace $0xD0000000  }
0x3: {  	_ = 	snop  }
0x4: {  	_ = 	snop  }
0x5: {  	_ = 	snop  }
0x6: {  	_ = 	snop  }
0x7: {  	_ = 	snop  }
__scs_overlays_trampoline_lowered:
0x8: {  	[smem:$0x3FA6] =	sst s0  }
0x9: {  	[smem:$0x3FA7] =	sst s1  }
0xa: {  	[smem:$0x3FA8] =	sst s2  }
0xb: {  	[smem:$0x3FA9] =	sst s3  }
0xc: {  	[smem:$0x3FAA] =	sst s4  }
0xd: {  	[smem:$0x3FAB] =	sst s5  }
0xe: {  	[smem:$0x3FAC] =	sst s6  }
0xf: {  	[smem:$0x3FAD] =	sst s7  }
0x10: {  	[smem:$0x3FAE] =	sst s8  }
0x11: {  	[smem:$0x3FAF] =	sst s9;
	s0 =	simm.s32 @!p0 $0x0  }
0x12: {  	s1 =	sld [smem:$0x3F95];
	s0 =	simm.s32 @p0 $0x1  }
0x13: {  	[smem:$0x3FB0] =	sst s0;
	s0 =	simm.s32 @!p1 $0x0  }
0x14: {  	s2 =	sld [smem:$0x3F94];
	s0 =	simm.s32 @p1 $0x1  }
0x15: {  	[smem:$0x3FB1] =	sst s0;
	s0 =	simm.s32 @!p2 $0x0  }
0x16: {  	s3 =	sld [smem:$0x3FDB];
	s0 =	simm.s32 @p2 $0x1  }
0x17: {  	s4 =	simm.s32 $0x1BF5;
	[smem:$0x3FB3] =	sst s0  }
0x18: {  	s0 =	sld [smem:$0x3F96];
	_ =	swait.ge [sflag:s4], $0x0  }
0x19: {  	s7 =	sld [smem:$0x3F97]  }
0x1a: {  	s8 =	sadd.s32 $0xFFFFE003, lr  }
0x1b: {  	s9 =	sadd.s32 $0xFFFFFEF7, lr;
	s5 =	simm.s32 $0xFFFFFFFF;
	p2 =	slt.u32 s8, $0xFFFFF086  }
0x1c: {  	p1 =	slt.u32 s9, $0xF7A;
	s5 =	simm.s32 @!p2 $0x0  }
0x1d: {  	s5 =	simm.s32 @p1 $0x1;
	p0 =	seq.s32 s7, s2  }
0x1e: {  	s7 =	smul.u32 @!p0 $0xF7A, s2;
	p2 =	seq.s32 @!p0 s5, $0x0  }
0x1f: {  	s9 =	smul.u32 $0xF7A, s1;
	s8 =	simm.s32 @!p0 $0x1BF5;
	p2 =	por !p2, p0  }
0x20: {  	[sflag:s8] =	ssyncset.s32 @!p0 $0xFFFFF086;
	s6 =	sadd.s32 @!p0 s3, s7;
	s7 =	simm.s32 @!p0 $0x108  }
0x21: {  	s3 =	sadd.s32 s3, s9;
	s6 =	sadd.s32 @!p0 $0x88, s6;
	s7 =	simm.s32 @p2 $0x1082  }
0x22: {  	[simem:s7], [sflag:s8] =	dma.local @!p0 [hbm:s6], $0xF7A  }
0x23: {  	s9 =	sor.u32 $0xD0000000, s2;
	s6 =	simm.s32 $0x108;
	_ =	swait.ge @!p0 [sflag:s8], $0x0  }
0x24: {  	s3 =	sadd.s32 $0x88, s3;
	s6 =	simm.s32 @!p1 $0x1082;
	[sflag:s4] =	ssyncset.s32 $0xFFFFF086  }
0x25: {  	[simem:s6], [sflag:s4] =	dma.local [hbm:s3], $0xF7A  }
0x26: {  	[smem:$0x3F97] =	sst s1;
	(tag) =	ssettag s2;
	_ =	strace s9  }
0x27: {  	s1 =	sld [smem:$0x3FA7]  }
0x28: {  	s2 =	sld [smem:$0x3FA8]  }
0x29: {  	s4 =	sld [smem:$0x3FAA]  }
0x2a: {  	p0 =	seq.s32 s5, $0x0;
	s5 =	sld [smem:$0x3FAB]  }
0x2b: {  	s6 =	sld [smem:$0x3FAC]  }
0x2c: {  	s7 =	sld [smem:$0x3FAD]  }
0x2d: {  	s3 =	simm.s32 $0x108;
	s8 =	sld [smem:$0x3FAE]  }
0x2e: {  	s3 =	simm.s32 @!p0 $0x1082;
	s9 =	sld [smem:$0x3FAF]  }
0x2f: {  	lr =	sadd.s32 s0, s3;
	s0 =	sld [smem:$0x3FA6]  }
0x30: {  	s3 =	sld [smem:$0x3FA9]  }
0x31: {  	[smem:$0x3FB2] =	sst s10  }
0x32: {  	s10 =	sld [smem:$0x3FB0];
	_ =	sdelay $0x3  }
0x33: {  	p0 =	seq.s32 s10, $0x1;
	s10 =	sld [smem:$0x3FB2];
	_ =	sdelay $0x3  }
0x34: {  	[smem:$0x3FB2] =	sst s10  }
0x35: {  	s10 =	sld [smem:$0x3FB1];
	_ =	sdelay $0x3  }
0x36: {  	p1 =	seq.s32 s10, $0x1;
	s10 =	sld [smem:$0x3FB2];
	_ =	sdelay $0x3  }
0x37: {  	[smem:$0x3FB2] =	sst s10  }
0x38: {  	s10 =	sld [smem:$0x3FB3]  }
0x39: {  	_ = 	snop;
	(pc) =	sbr.ind lr, $3  }
0x3a: {  	_ = 	snop  }
0x3b: {  	_ = 	snop  }
0x3c: {  	p2 =	seq.s32 s10, $0x1;
	s10 =	sld [smem:$0x3FB2]  }
0x3d: {  	_ =	shalt  }
0x3e: {  	_ =	shalt  }
0x3f: {  	_ =	shalt  }
0x40: {  	_ =	shalt  }
0x41: {  	_ =	shalt  }
0x42: {  	_ =	shalt  }
0x43: {  	_ =	shalt  }
0x44: {  	_ =	shalt  }
0x45: {  	_ =	shalt  }
0x46: {  	_ =	shalt  }
0x47: {  	_ =	shalt  }
0x48: {  	_ =	shalt  }
0x49: {  	_ =	shalt  }
0x4a: {  	_ =	shalt  }
0x4b: {  	_ =	shalt  }
0x4c: {  	_ =	shalt  }
0x4d: {  	_ =	shalt  }
0x4e: {  	_ =	shalt  }
0x4f: {  	_ =	shalt  }
0x50: {  	_ =	shalt  }
0x51: {  	_ =	shalt  }
0x52: {  	_ =	shalt  }
0x53: {  	_ =	shalt  }
0x54: {  	_ =	shalt  }
0x55: {  	_ =	shalt  }
0x56: {  	_ =	shalt  }
0x57: {  	_ =	shalt  }
0x58: {  	_ =	shalt  }
0x59: {  	_ =	shalt  }
0x5a: {  	_ =	shalt  }
0x5b: {  	_ =	shalt  }
0x5c: {  	_ =	shalt  }
0x5d: {  	_ =	shalt  }
0x5e: {  	_ =	shalt  }
0x5f: {  	_ =	shalt  }
0x60: {  	_ =	shalt  }
0x61: {  	_ =	shalt  }
0x62: {  	_ =	shalt  }
0x63: {  	_ =	shalt  }
0x64: {  	_ =	shalt  }
0x65: {  	_ =	shalt  }
0x66: {  	_ =	shalt  }
0x67: {  	_ =	shalt  }
0x68: {  	_ =	shalt  }
0x69: {  	_ =	shalt  }
0x6a: {  	_ =	shalt  }
0x6b: {  	_ =	shalt  }
0x6c: {  	_ =	shalt  }
0x6d: {  	_ =	shalt  }
0x6e: {  	_ =	shalt  }
0x6f: {  	_ =	shalt  }
0x70: {  	_ =	shalt  }
0x71: {  	_ =	shalt  }
0x72: {  	_ =	shalt  }
0x73: {  	_ =	shalt  }
0x74: {  	_ =	shalt  }
0x75: {  	_ =	shalt  }
0x76: {  	_ =	shalt  }
0x77: {  	_ =	shalt  }
0x78: {  	_ =	shalt  }
0x79: {  	_ =	shalt  }
0x7a: {  	_ =	shalt  }
0x7b: {  	_ =	shalt  }
0x7c: {  	_ =	shalt  }
0x7d: {  	_ =	shalt  }
0x7e: {  	_ =	shalt  }
0x7f: {  	_ =	shalt  }
0x80: {  	_ =	shalt  }
0x81: {  	_ =	shalt  }
0x82: {  	_ =	shalt  }
0x83: {  	_ =	shalt  }
0x84: {  	_ =	shalt  }
0x85: {  	_ =	shalt  }
0x86: {  	_ =	shalt  }
0x87: {  	_ =	shalt  }
.Lfunc_end0:
.L_simem_size_0:
called_computation_lowered:
.L_overlay_start_0:
0x88: {  	s2 =	sld [smem:$0x3FD9]  }
0x89: {  	s3 =	sld [smem:$0x3FFE];
	_ =	sdelay $0x1  }
0x8a: {  	s1 =	srdreg.scid  }
0x8b: {  	s0 =	sand.u32 $0x1, s1  }
0x8c: {  	s17 =	sshll.u32 s0, $0xA;
	s2 =	sadd.s32 s3, s2  }
0x8d: {  	s2 =	sadd.s32 s2, s17  }
0x8e: {  	[smem:$0x3FBE] =	sst s2  }
0x8f: {  	_ = 	snop  }
0x90: {  	s2 =	sld [smem:$0x3FC9];
	(tm) =	ssettm $0x1  }
0x91: {  	s18 =	sld [smem:$0x3FFB];
	_ =	sdelay $0x3  }
0x92: {  	_ =	strace s18  }
0x93: {  	s3 =	sld [smem:$0x3FFC];
	_ =	sdelay $0x3  }
0x94: {  	_ =	strace s3  }
0x95: {  	s3 =	sld [smem:$0x3FFD];
	_ =	sdelay $0x3  }
0x96: {  	_ =	strace s3  }
0x97: {  	_ =	strace $0x8FFFFFFF  }
0x98: {  	s19 =	sld [smem:$0x3FDB];
	_ =	sdelay $0x1  }
0x99: {  	s4 =	simm.s32 $_scs_section_size  }
0x9a: {  	s5 =	simm.s32 $_size__tile_overlayer_lowered;
	s6 =	simm.s32 $_tile_overlayer_lowered  }
0x9b: {  	s22 =	simm.s32 $0x1BFF;
	s21 =	sshll.u32 s6, $0x1;
	s3 =	sadd.s32 s4, s19  }
0x9c: {  	s7 =	simm.s32 $0x0;
	s20 =	sshll.u32 s5, $0x1;
	s5 =	sadd.s32 s21, s3  }
0x9d: {  	[timem:s7], [sflag:s22] =	dma.local [hbm:s5], s20  }
0x9e: {  	_ =	swait.ge [sflag:s22], s20  }
0x9f: {  	s4 =	ssub.s32 $0x0, s20;
	[sflag:s22] =	ssyncset.done $0x0  }
0xa0: {  	[sflag:s22] =	ssyncadd.s32 s4;
	_ =	sdelay $0x1  }
0xa1: {  	s23 =	simm.s32 $0x1B8B  }
0xa2: {  	_ =	swait.ge [sflag:s23], $0x1  }
0xa3: {  	[sflag:s23] =	ssyncset.done $0x0  }
0xa4: {  	s25 =	simm.s32 $0x1B8E;
	s24 =	sld [smem:$0x3FFE];
	[sflag:s23] =	ssyncadd.s32 $0xFFFFFFFF  }
0xa5: {  	s26 =	simm.s32 $execute0_lowered;
	[smem:$0x3FD2] =	sst s25  }
0xa6: {  	s5 =	sshll.u32 s26, $0x1;
	_ =	strace $0x80000046;
	[dreg:$0x1] =	wrdreg $0xFFFFFFFF  }
0xa7: {  	s28 =	simm.s32 $_size_execute0_lowered;
	s3 =	sadd.s32 s3, s5;
	[dreg:$0x0] =	wrdreg $0x0  }
0xa8: {  	s5 =	sshll.u32 s28, $0x1;
	[dreg:$0x2] =	wrdreg s3  }
0xa9: {  	[dreg:$0x3] =	wrdreg s5  }
0xaa: {  	[dreg:$0x4] =	wrdreg $0xC0  }
0xab: {  	_ =	task [dreg:s7], $0x5FFFF  }
0xac: {  	[dreg:$0x1] =	wrdreg $0xFFFFFFFF  }
0xad: {  	[dreg:$0x0] =	wrdreg $0x60  }
0xae: {  	[dreg:$0x2] =	wrdreg s2  }
0xaf: {  	[dreg:$0x3] =	wrdreg s24  }
0xb0: {  	[dreg:$0x4] =	wrdreg $0x82000  }
0xb1: {  	[dreg:$0x5] =	wrdreg $0x9  }
0xb2: {  	_ =	task.clear_ibuf [dreg:s7], $0x6FFFF;
	_ =	strace $0x90000046  }
0xb3: {  	s29 =	simm.s32 $0x9;
	_ =	strace $0x80000048  }
0xb4: {  	_ =	swait.ge [sflag:s29], $0x1  }
0xb5: {  	[sflag:s29] =	ssyncadd.s32 $0xFFFFFFFF  }
0xb6: {  	_ =	strace $0x90000048  }
0xb7: {  	_ =	sfence  }
0xb8: {  	s30 =	sld [smem:$0x0];
	_ =	sdelay $0x2  }
0xb9: {  	s31 =	sshll.u32 s1, $0xD;
	s1 =	sshrl.u32 s1, $0x2  }
0xba: {  	s3 =	sand.u32 $0x4000, s31;
	s1 =	sadd.s32 s1, s30  }
0xbb: {  	s0 =	sor.u32 s3, s0;
	s1 =	sshll.u32 s1, $0x11  }
0xbc: {  	s0 =	sor.u32 s1, s0  }
0xbd: {  	s0 =	sadd.s32 $0x8F2B, s0  }
0xbe: {  	[sflag:s0] =	ssyncadd.remote.s32 $0x1  }
0xbf: {  	_ =	sfence.sel $0xFFFF  }
0xc0: {  	[dreg:$0x0] =	wrdreg $0xFFFFFFFF;
	(pc) =	sbr.abs _section_cstart, $3  }
0xc1: {  	[dreg:$0x1] =	wrdreg $0xFFFFFFFF  }
0xc2: {  	_ =	task.clear_ibuf [dreg:s7], $0x2FFFF;
	_ =	strace $0x9FFFFFFF  }
0xc3: {  	(tm) =	ssettm $0x7FFFFFFF  }
tec
execute0_lowered:
.L_overlay_start_1:
0x0: {  	(tag) =	ssettag $0x1  }
0x1: {  	s1 =	rddreg [dreg:$0x0]  }
0x2: {  	s5 =	rddreg [dreg:$0x1]  }
0x3: {  	s3 =	rddreg [dreg:$0x2]  }
0x4: {  	s0 =	rddreg [dreg:$0x3]  }
0x5: {  	s4 =	simm.s32 $0x0;
	s2 =	stileid.u32;
	s6 =	srdreg.scid  }
0x6: {  	s16 =	simm.s32 $0x100;
	s17 =	simm.s32 $0x200;
	s18 =	simm.s32 $0x180  }
0x7: {  	s19 =	simm.s32 $0x4200;
	s20 =	simm.s32 $0x3;
	s21 =	simm.s32 $0x4  }
0x8: {  	s22 =	simm.s32 $0x1;
	s23 =	simm.s32 $0x2;
	s7 =	smul.u32 $0x14000, s2  }
0x9: {  	s24 =	simm.s32 $0x0;
	[smem:$0x7FF] =	sst s4;
	s10 =	smul.u32 $0x50000, s2  }
0xa: {  	s6 =	sand.u32 $0x1, s6;
	s12 =	sadd.s32 $0x1A00, s5;
	s13 =	smul.u32 $0x2800, s2  }
0xb: {  	s11 =	sadd.s32 $0xBA00, s5;
	s29 =	sshll.u32 s2, $0x6;
	s8 =	smul.u32 $0x140000, s6  }
0xc: {  	_ =	strace $0x80000047;
	s25 =	smul.u32 $0x28000, s6;
	s6 =	ssub.s32 $0x2, s6  }
0xd: {  	s9 =	sshrl.u32 s7, $0x3;
	s26 =	sshrl.u32 s6, $0x1;
	s10 =	sshrl.u32 s10, $0x2  }
0xe: {  	s9 =	sadd.s32 s9, s5;
	s7 =	sadd.s32 s7, s8;
	s14 =	ssub.s32 s6, s26  }
0xf: {  	s15 =	sadd.s32 s10, s3;
	s28 =	sadd.s32 s13, s25;
	s6 =	sor.u32 $0x1C05, s29  }
0x10: {  	s7 =	sshrl.u32 s7, $0x3;
	s8 =	sor.u32 $0x80, s28;
	s31 =	sshrl.u32 s28, $0x3  }
0x11: {  	v7 =	vlaneseq.u32;
	s13 =	sshrl.u32 s15, $0x3;
	s15 =	simm.s32 $0x80;
	s7 =	sadd.s32 s7, s5  }
0x12: {  	v0 =	vor.u32 $0x2710, v7;
	v1 =	vor.u32 $0x2720, v7;
	s5 =	sadd.s32 $0x15A00, s9;
	s30 =	sshrl.u32 s8, $0x3;
	s8 =	smax.u32 s14, $0x1  }
0x13: {  	v2 =	vor.u32 $0x2730, v7;
	v3 =	vor.u32 $0x2740, v7;
	v4 =	vor.u32 $0x2750, v7;
	s14 =	simm.s32 $0x5;
	s7 =	sadd.s32 $0x3DA00, s7;
	s9 =	sadd.s32 s30, s11  }
0x14: {  	v5 =	vor.u32 $0x2760, v7;
	v6 =	vor.u32 $0x2770, v7;
	v7 =	vor.u32 $0x2780, v7;
	s10 =	sadd.s32 s30, s12;
	s11 =	sadd.s32 s31, s11;
	s12 =	sadd.s32 s31, s12  }
.LBB2_1:
0x15: {  	[spmem:s13], [sflag:s6] =	dma.local [hbm:s5], $0x2800  }
0x16: {  	_ =	swait.ge [sflag:s14], $0x2800  }
0x17: {  	[sflag:s14] =	ssyncset.done $0x0  }
0x18: {  	[sflag:s14] =	ssyncadd.s32 $0xFFFFD800  }
0x19: {  	[bflag:$0x0] =	sbarrier.arrive $0xFFFF  }
0x1a: {  	[tilespmem:$0x100] =	vst v0  }
0x1b: {  	[tilespmem:$0x180] =	vst v0  }
0x1c: {  	[tilespmem:$0x110] =	vst v1  }
0x1d: {  	[tilespmem:$0x190] =	vst v1  }
0x1e: {  	[tilespmem:$0x120] =	vst v2  }
0x1f: {  	[tilespmem:$0x1A0] =	vst v2  }
0x20: {  	[tilespmem:$0x130] =	vst v3  }
0x21: {  	[tilespmem:$0x1B0] =	vst v3  }
0x22: {  	[tilespmem:$0x140] =	vst v4  }
0x23: {  	[tilespmem:$0x1C0] =	vst v4  }
0x24: {  	[tilespmem:$0x150] =	vst v5  }
0x25: {  	[tilespmem:$0x1D0] =	vst v5  }
0x26: {  	[tilespmem:$0x160] =	vst v6  }
0x27: {  	[tilespmem:$0x1E0] =	vst v6  }
0x28: {  	[tilespmem:$0x170] =	vst v7  }
0x29: {  	[tilespmem:$0x1F0] =	vst v7  }
0x2a: {  	[spmem:s3] =	stream.indirect.scatter.add.f32 [tilespmem:s17], [sflag:$0x3], $0x80, s16, s15, $0xb8;
	[tilespmem:$0x1C200] =	vst v63  }
0x2b: {  	_ = 	snop  }
0x2c: {  	[spmem:s3] =	stream.indirect.scatter.add.f32 [tilespmem:s19], [sflag:$0x4], $0x80, s18, s15, $0xb8;
	[tilespmem:$0x1C200] =	vst v63  }
0x2d: {  	_ =	swait.ge [sflag:s20], $0x4000  }
0x2e: {  	[sflag:s20] =	ssyncset.done $0x0  }
0x2f: {  	s25 =	sadd.s32 $0x0, s12;
	[sflag:s20] =	ssyncadd.s32 $0xFFFFC000  }
0x30: {  	[tilespmem:s4], [sflag:$0x5] =	stream.linear.gather [hbm4b:s25+s4], $0x80, $0x38;
	[tilespmem:$0x1C200] =	vst v63  }
0x31: {  	_ =	swait.ge [sflag:s14], $0x80  }
0x32: {  	[sflag:s14] =	ssyncset.done $0x0  }
0x33: {  	[sflag:s14] =	ssyncadd.s32 $0xFFFFFF80  }
0x34: {  	[tilespmem:s17], [sflag:$0x1] =	stream.indirect.gather [hbm4b:s1+s15], $0x80, s4, s15, $0xb8;
	[tilespmem:$0x1C200] =	vst v63  }
0x35: {  	_ =	swait.ge [sflag:s21], $0x4000  }
0x36: {  	[sflag:s21] =	ssyncset.done $0x0  }
0x37: {  	s29 =	sadd.s32 $0x0, s10;
	[sflag:s21] =	ssyncadd.s32 $0xFFFFC000  }
0x38: {  	[tilespmem:s15], [sflag:$0x5] =	stream.linear.gather [hbm4b:s29+s4], $0x80, $0x38;
	[tilespmem:$0x1C200] =	vst v63  }
0x39: {  	_ =	swait.ge [sflag:s14], $0x80  }
0x3a: {  	[sflag:s14] =	ssyncset.done $0x0  }
0x3b: {  	[sflag:s14] =	ssyncadd.s32 $0xFFFFFF80  }
0x3c: {  	[tilespmem:s19], [sflag:$0x2] =	stream.indirect.gather [hbm4b:s1+s15], $0x80, s15, s15, $0xb8;
	[tilespmem:$0x1C200] =	vst v63  }
0x3d: {  	s30 =	sadd.s32 $0x0, s11  }
0x3e: {  	[tilespmem:s16], [sflag:$0x5] =	stream.linear.gather [hbm4b:s30+s4], $0x80, $0x38;
	[tilespmem:$0x1C200] =	vst v63  }
0x3f: {  	_ =	swait.ge [sflag:s14], $0x80  }
0x40: {  	[sflag:s14] =	ssyncset.done $0x0  }
0x41: {  	s31 =	sadd.s32 $0x0, s9;
	[sflag:s14] =	ssyncadd.s32 $0xFFFFFF80  }
0x42: {  	[tilespmem:s18], [sflag:$0x5] =	stream.linear.gather [hbm4b:s31+s4], $0x80, $0x38;
	[tilespmem:$0x1C200] =	vst v63  }
0x43: {  	_ =	swait.ge [sflag:s14], $0x80  }
0x44: {  	[sflag:s14] =	ssyncset.done $0x0  }
0x45: {  	[sflag:s14] =	ssyncadd.s32 $0xFFFFFF80  }
0x46: {  	_ =	swait.ge [sflag:s22], $0x4000  }
0x47: {  	[sflag:s22] =	ssyncset.done $0x0  }
0x48: {  	[sflag:s22] =	ssyncadd.s32 $0xFFFFC000  }
0x49: {  	[spmem:s3] =	stream.indirect.scatter.add.f32 [tilespmem:s17], [sflag:$0x3], $0x80, s16, s15, $0xb8;
	[tilespmem:$0x1C200] =	vst v63  }
0x4a: {  	_ =	swait.ge [sflag:s23], $0x4000  }
0x4b: {  	[sflag:s23] =	ssyncset.done $0x0  }
0x4c: {  	s25 =	simm.s32 $0x20;
	[sflag:s23] =	ssyncadd.s32 $0xFFFFC000  }
.LBB2_2:
0x4d: {  	[spmem:s3] =	stream.indirect.scatter.add.f32 [tilespmem:s19], [sflag:$0x4], $0x80, s18, s15, $0xb8;
	[tilespmem:$0x1C200] =	vst v63  }
0x4e: {  	s26 =	smov.u32 s25  }
0x4f: {  	p0 =	sne.s32 s25, $0x4E0;
	s25 =	sadd.s32 $0x20, s25;
	_ =	swait.ge [sflag:s20], $0x4000  }
0x50: {  	[sflag:s20] =	ssyncset.done $0x0  }
0x51: {  	s28 =	sadd.s32 s26, s12;
	[sflag:s20] =	ssyncadd.s32 $0xFFFFC000  }
0x52: {  	[tilespmem:s4], [sflag:$0x5] =	stream.linear.gather [hbm4b:s28+s4], $0x80, $0x38;
	[tilespmem:$0x1C200] =	vst v63  }
0x53: {  	_ =	swait.ge [sflag:s14], $0x80  }
0x54: {  	[sflag:s14] =	ssyncset.done $0x0  }
0x55: {  	[sflag:s14] =	ssyncadd.s32 $0xFFFFFF80  }
0x56: {  	[tilespmem:s17], [sflag:$0x1] =	stream.indirect.gather [hbm4b:s1+s15], $0x80, s4, s15, $0xb8;
	[tilespmem:$0x1C200] =	vst v63  }
0x57: {  	_ =	swait.ge [sflag:s21], $0x4000  }
0x58: {  	[sflag:s21] =	ssyncset.done $0x0  }
0x59: {  	s28 =	sadd.s32 s26, s10;
	[sflag:s21] =	ssyncadd.s32 $0xFFFFC000  }
0x5a: {  	[tilespmem:s15], [sflag:$0x5] =	stream.linear.gather [hbm4b:s28+s4], $0x80, $0x38;
	[tilespmem:$0x1C200] =	vst v63  }
0x5b: {  	_ =	swait.ge [sflag:s14], $0x80  }
0x5c: {  	[sflag:s14] =	ssyncset.done $0x0  }
0x5d: {  	[sflag:s14] =	ssyncadd.s32 $0xFFFFFF80  }
0x5e: {  	[tilespmem:s19], [sflag:$0x2] =	stream.indirect.gather [hbm4b:s1+s15], $0x80, s15, s15, $0xb8;
	[tilespmem:$0x1C200] =	vst v63  }
0x5f: {  	s28 =	sadd.s32 s26, s11  }
0x60: {  	[tilespmem:s16], [sflag:$0x5] =	stream.linear.gather [hbm4b:s28+s4], $0x80, $0x38;
	[tilespmem:$0x1C200] =	vst v63  }
0x61: {  	_ =	swait.ge [sflag:s14], $0x80  }
0x62: {  	[sflag:s14] =	ssyncset.done $0x0  }
0x63: {  	s26 =	sadd.s32 s26, s9;
	[sflag:s14] =	ssyncadd.s32 $0xFFFFFF80  }
0x64: {  	[tilespmem:s18], [sflag:$0x5] =	stream.linear.gather [hbm4b:s26+s4], $0x80, $0x38;
	[tilespmem:$0x1C200] =	vst v63  }
0x65: {  	_ =	swait.ge [sflag:s14], $0x80  }
0x66: {  	[sflag:s14] =	ssyncset.done $0x0  }
0x67: {  	[sflag:s14] =	ssyncadd.s32 $0xFFFFFF80  }
0x68: {  	_ =	swait.ge [sflag:s22], $0x4000  }
0x69: {  	[sflag:s22] =	ssyncset.done $0x0  }
.Ltmp0:
0x6a: {  	[sflag:s22] =	ssyncadd.s32 $0xFFFFC000;
	(pc) =	sbr.rel @p0 .LBB2_2-.Ltmp0, $4  }
0x6b: {  	[spmem:s3] =	stream.indirect.scatter.add.f32 [tilespmem:s17], [sflag:$0x3], $0x80, s16, s15, $0xb8;
	[tilespmem:$0x1C200] =	vst v63  }
0x6c: {  	_ =	swait.ge [sflag:s23], $0x4000  }
0x6d: {  	[sflag:s23] =	ssyncset.done $0x0  }
0x6e: {  	[sflag:s23] =	ssyncadd.s32 $0xFFFFC000  }
0x6f: {  	[spmem:s3] =	stream.indirect.scatter.add.f32 [tilespmem:s19], [sflag:$0x4], $0x80, s18, s15, $0xb8;
	[tilespmem:$0x1C200] =	vst v63  }
0x70: {  	_ =	swait.ge [sflag:s20], $0x4000  }
0x71: {  	[sflag:s20] =	ssyncset.done $0x0  }
0x72: {  	[sflag:s20] =	ssyncadd.s32 $0xFFFFC000  }
0x73: {  	_ =	swait.ge [sflag:s21], $0x4000  }
0x74: {  	s24 =	sadd.s32 $0x1, s24;
	[sflag:s21] =	ssyncset.done $0x0  }
0x75: {  	p0 =	sne.s32 s24, s8;
	[sflag:s21] =	ssyncadd.s32 $0xFFFFC000  }
.Ltmp1:
0x76: {  	[bflag:$0x0] =	sbarrier.arrive $0xFFFF;
	(pc) =	sbr.rel @p0 .LBB2_1-.Ltmp1, $4  }
0x77: {  	[hbm:s7], [sflag:s6] =	dma.local [spmem:s13], $0x2800  }
0x78: {  	_ =	swait.ge [sflag:s14], $0x2800  }
0x79: {  	[sflag:s14] =	ssyncset.done $0x0  }
0x7a: {  	[sflag:s14] =	ssyncadd.s32 $0xFFFFD800  }
0x7b: {  	_ =	sfence.sel $0x180000  }
0x7c: {  	[bflag:$0x0] =	sbarrier.arrive $0xFFFF  }
0x7d: {  	p0 =	sne.s32 s2, $0x0;
	_ =	strace $0x90000047  }
0x7e: {  	s0 =	sadd.s32 @!p0 $0x100000, s0;
	[bflag:$0x2] =	sbarrier.arrive $0xFFFF  }
0x7f: {  	[sflag:s0] =	ssyncadd.tile.s32 @!p0 $0x1;
	_ =	shalt  }
.Lfunc_end2:
_tile_overlayer_lowered:
.L_overlay_start_2:
0x80: {  	(tag) =	ssettag $0x2  }
0x81: {  	s0 =	rddreg [dreg:$0x0];
	s2 =	stileid.u32  }
0x82: {  	s1 =	rddreg [dreg:$0x1];
	p0 =	sne.s32 s2, $0x0  }
0x83: {  	s3 =	rddreg [dreg:$0x2];
	[bflag:$0x3] =	sbarrier.arrive $0xFFFF;
	s2 =	simm.s32 @!p0 $0x1C05  }
0x84: {  	[timem:s3], [sflag:s2] =	dma.local @!p0 [hbm:s0], s1  }
0x85: {  	s0 =	simm.s32 @!p0 $0x5  }
0x86: {  	_ =	swait.ge @!p0 [sflag:s0], s1  }
0x87: {  	s1 =	ssub.s32 @!p0 $0x0, s1;
	[sflag:s0] =	ssyncset.done @!p0 $0x0  }
0x88: {  	[sflag:s0] =	ssyncadd.s32 @!p0 s1  }
0x89: {  	[bflag:$0x3] =	sbarrier.arrive $0xFFFF  }
0x8a: {  	_ =	shalt  }

// kernel: kernel.9.cloned.1.call-start
scs
__scs_entry_jumppad:
0x0: {  	(pc) =	sbr.rel $0x88, $3  }
0x1: {  	(tag) =	ssettag $0x0;
	lr =	simm.s32 $0x1  }
0x2: {  	[smem:$0x3F97] =	sst lr;
	_ =	strace $0xD0000000  }
0x3: {  	_ = 	snop  }
0x4: {  	_ = 	snop  }
0x5: {  	_ = 	snop  }
0x6: {  	_ = 	snop  }
0x7: {  	_ = 	snop  }
__scs_overlays_trampoline_lowered:
0x8: {  	[smem:$0x3FA6] =	sst s0  }
0x9: {  	[smem:$0x3FA7] =	sst s1  }
0xa: {  	[smem:$0x3FA8] =	sst s2  }
0xb: {  	[smem:$0x3FA9] =	sst s3  }
0xc: {  	[smem:$0x3FAA] =	sst s4  }
0xd: {  	[smem:$0x3FAB] =	sst s5  }
0xe: {  	[smem:$0x3FAC] =	sst s6  }
0xf: {  	[smem:$0x3FAD] =	sst s7  }
0x10: {  	[smem:$0x3FAE] =	sst s8  }
0x11: {  	[smem:$0x3FAF] =	sst s9;
	s0 =	simm.s32 @!p0 $0x0  }
0x12: {  	s1 =	sld [smem:$0x3F95];
	s0 =	simm.s32 @p0 $0x1  }
0x13: {  	[smem:$0x3FB0] =	sst s0;
	s0 =	simm.s32 @!p1 $0x0  }
0x14: {  	s2 =	sld [smem:$0x3F94];
	s0 =	simm.s32 @p1 $0x1  }
0x15: {  	[smem:$0x3FB1] =	sst s0;
	s0 =	simm.s32 @!p2 $0x0  }
0x16: {  	s3 =	sld [smem:$0x3FDB];
	s0 =	simm.s32 @p2 $0x1  }
0x17: {  	s4 =	simm.s32 $0x1BF5;
	[smem:$0x3FB3] =	sst s0  }
0x18: {  	s0 =	sld [smem:$0x3F96];
	_ =	swait.ge [sflag:s4], $0x0  }
0x19: {  	s7 =	sld [smem:$0x3F97]  }
0x1a: {  	s8 =	sadd.s32 $0xFFFFE003, lr  }
0x1b: {  	s9 =	sadd.s32 $0xFFFFFEF7, lr;
	s5 =	simm.s32 $0xFFFFFFFF;
	p2 =	slt.u32 s8, $0xFFFFF086  }
0x1c: {  	p1 =	slt.u32 s9, $0xF7A;
	s5 =	simm.s32 @!p2 $0x0  }
0x1d: {  	s5 =	simm.s32 @p1 $0x1;
	p0 =	seq.s32 s7, s2  }
0x1e: {  	s7 =	smul.u32 @!p0 $0xF7A, s2;
	p2 =	seq.s32 @!p0 s5, $0x0  }
0x1f: {  	s9 =	smul.u32 $0xF7A, s1;
	s8 =	simm.s32 @!p0 $0x1BF5;
	p2 =	por !p2, p0  }
0x20: {  	[sflag:s8] =	ssyncset.s32 @!p0 $0xFFFFF086;
	s6 =	sadd.s32 @!p0 s3, s7;
	s7 =	simm.s32 @!p0 $0x108  }
0x21: {  	s3 =	sadd.s32 s3, s9;
	s6 =	sadd.s32 @!p0 $0x88, s6;
	s7 =	simm.s32 @p2 $0x1082  }
0x22: {  	[simem:s7], [sflag:s8] =	dma.local @!p0 [hbm:s6], $0xF7A  }
0x23: {  	s9 =	sor.u32 $0xD0000000, s2;
	s6 =	simm.s32 $0x108;
	_ =	swait.ge @!p0 [sflag:s8], $0x0  }
0x24: {  	s3 =	sadd.s32 $0x88, s3;
	s6 =	simm.s32 @!p1 $0x1082;
	[sflag:s4] =	ssyncset.s32 $0xFFFFF086  }
0x25: {  	[simem:s6], [sflag:s4] =	dma.local [hbm:s3], $0xF7A  }
0x26: {  	[smem:$0x3F97] =	sst s1;
	(tag) =	ssettag s2;
	_ =	strace s9  }
0x27: {  	s1 =	sld [smem:$0x3FA7]  }
0x28: {  	s2 =	sld [smem:$0x3FA8]  }
0x29: {  	s4 =	sld [smem:$0x3FAA]  }
0x2a: {  	p0 =	seq.s32 s5, $0x0;
	s5 =	sld [smem:$0x3FAB]  }
0x2b: {  	s6 =	sld [smem:$0x3FAC]  }
0x2c: {  	s7 =	sld [smem:$0x3FAD]  }
0x2d: {  	s3 =	simm.s32 $0x108;
	s8 =	sld [smem:$0x3FAE]  }
0x2e: {  	s3 =	simm.s32 @!p0 $0x1082;
	s9 =	sld [smem:$0x3FAF]  }
0x2f: {  	lr =	sadd.s32 s0, s3;
	s0 =	sld [smem:$0x3FA6]  }
0x30: {  	s3 =	sld [smem:$0x3FA9]  }
0x31: {  	[smem:$0x3FB2] =	sst s10  }
0x32: {  	s10 =	sld [smem:$0x3FB0];
	_ =	sdelay $0x3  }
0x33: {  	p0 =	seq.s32 s10, $0x1;
	s10 =	sld [smem:$0x3FB2];
	_ =	sdelay $0x3  }
0x34: {  	[smem:$0x3FB2] =	sst s10  }
0x35: {  	s10 =	sld [smem:$0x3FB1];
	_ =	sdelay $0x3  }
0x36: {  	p1 =	seq.s32 s10, $0x1;
	s10 =	sld [smem:$0x3FB2];
	_ =	sdelay $0x3  }
0x37: {  	[smem:$0x3FB2] =	sst s10  }
0x38: {  	s10 =	sld [smem:$0x3FB3]  }
0x39: {  	_ = 	snop;
	(pc) =	sbr.ind lr, $3  }
0x3a: {  	_ = 	snop  }
0x3b: {  	_ = 	snop  }
0x3c: {  	p2 =	seq.s32 s10, $0x1;
	s10 =	sld [smem:$0x3FB2]  }
0x3d: {  	_ =	shalt  }
0x3e: {  	_ =	shalt  }
0x3f: {  	_ =	shalt  }
0x40: {  	_ =	shalt  }
0x41: {  	_ =	shalt  }
0x42: {  	_ =	shalt  }
0x43: {  	_ =	shalt  }
0x44: {  	_ =	shalt  }
0x45: {  	_ =	shalt  }
0x46: {  	_ =	shalt  }
0x47: {  	_ =	shalt  }
0x48: {  	_ =	shalt  }
0x49: {  	_ =	shalt  }
0x4a: {  	_ =	shalt  }
0x4b: {  	_ =	shalt  }
0x4c: {  	_ =	shalt  }
0x4d: {  	_ =	shalt  }
0x4e: {  	_ =	shalt  }
0x4f: {  	_ =	shalt  }
0x50: {  	_ =	shalt  }
0x51: {  	_ =	shalt  }
0x52: {  	_ =	shalt  }
0x53: {  	_ =	shalt  }
0x54: {  	_ =	shalt  }
0x55: {  	_ =	shalt  }
0x56: {  	_ =	shalt  }
0x57: {  	_ =	shalt  }
0x58: {  	_ =	shalt  }
0x59: {  	_ =	shalt  }
0x5a: {  	_ =	shalt  }
0x5b: {  	_ =	shalt  }
0x5c: {  	_ =	shalt  }
0x5d: {  	_ =	shalt  }
0x5e: {  	_ =	shalt  }
0x5f: {  	_ =	shalt  }
0x60: {  	_ =	shalt  }
0x61: {  	_ =	shalt  }
0x62: {  	_ =	shalt  }
0x63: {  	_ =	shalt  }
0x64: {  	_ =	shalt  }
0x65: {  	_ =	shalt  }
0x66: {  	_ =	shalt  }
0x67: {  	_ =	shalt  }
0x68: {  	_ =	shalt  }
0x69: {  	_ =	shalt  }
0x6a: {  	_ =	shalt  }
0x6b: {  	_ =	shalt  }
0x6c: {  	_ =	shalt  }
0x6d: {  	_ =	shalt  }
0x6e: {  	_ =	shalt  }
0x6f: {  	_ =	shalt  }
0x70: {  	_ =	shalt  }
0x71: {  	_ =	shalt  }
0x72: {  	_ =	shalt  }
0x73: {  	_ =	shalt  }
0x74: {  	_ =	shalt  }
0x75: {  	_ =	shalt  }
0x76: {  	_ =	shalt  }
0x77: {  	_ =	shalt  }
0x78: {  	_ =	shalt  }
0x79: {  	_ =	shalt  }
0x7a: {  	_ =	shalt  }
0x7b: {  	_ =	shalt  }
0x7c: {  	_ =	shalt  }
0x7d: {  	_ =	shalt  }
0x7e: {  	_ =	shalt  }
0x7f: {  	_ =	shalt  }
0x80: {  	_ =	shalt  }
0x81: {  	_ =	shalt  }
0x82: {  	_ =	shalt  }
0x83: {  	_ =	shalt  }
0x84: {  	_ =	shalt  }
0x85: {  	_ =	shalt  }
0x86: {  	_ =	shalt  }
0x87: {  	_ =	shalt  }
.Lfunc_end0:
.L_simem_size_0:
called_computation.1_lowered:
.L_overlay_start_0:
0x88: {  	s2 =	sld [smem:$0x3FD9]  }
0x89: {  	s3 =	sld [smem:$0x3FFE];
	_ =	sdelay $0x1  }
0x8a: {  	s1 =	srdreg.scid  }
0x8b: {  	s0 =	sand.u32 $0x1, s1  }
0x8c: {  	s17 =	sshll.u32 s0, $0xA;
	s2 =	sadd.s32 s3, s2  }
0x8d: {  	s2 =	sadd.s32 s2, s17  }
0x8e: {  	[smem:$0x3FBE] =	sst s2  }
0x8f: {  	_ = 	snop  }
0x90: {  	s2 =	sld [smem:$0x3FD0];
	(tm) =	ssettm $0x1  }
0x91: {  	s18 =	sld [smem:$0x3FFB];
	_ =	sdelay $0x3  }
0x92: {  	_ =	strace s18  }
0x93: {  	s3 =	sld [smem:$0x3FFC];
	_ =	sdelay $0x3  }
0x94: {  	_ =	strace s3  }
0x95: {  	s3 =	sld [smem:$0x3FFD];
	_ =	sdelay $0x3  }
0x96: {  	_ =	strace s3  }
0x97: {  	_ =	strace $0x8FFFFFFF  }
0x98: {  	s19 =	sld [smem:$0x3FDB];
	_ =	sdelay $0x1  }
0x99: {  	s4 =	simm.s32 $_scs_section_size  }
0x9a: {  	s5 =	simm.s32 $_size__tile_overlayer_lowered;
	s6 =	simm.s32 $_tile_overlayer_lowered  }
0x9b: {  	s22 =	simm.s32 $0x1BFF;
	s21 =	sshll.u32 s6, $0x1;
	s3 =	sadd.s32 s4, s19  }
0x9c: {  	s7 =	simm.s32 $0x0;
	s20 =	sshll.u32 s5, $0x1;
	s5 =	sadd.s32 s21, s3  }
0x9d: {  	[timem:s7], [sflag:s22] =	dma.local [hbm:s5], s20  }
0x9e: {  	_ =	swait.ge [sflag:s22], s20  }
0x9f: {  	s4 =	ssub.s32 $0x0, s20;
	[sflag:s22] =	ssyncset.done $0x0  }
0xa0: {  	[sflag:s22] =	ssyncadd.s32 s4;
	_ =	sdelay $0x1  }
0xa1: {  	s23 =	simm.s32 $0x1B8B  }
0xa2: {  	_ =	swait.ge [sflag:s23], $0x1  }
0xa3: {  	[sflag:s23] =	ssyncset.done $0x0  }
0xa4: {  	s25 =	simm.s32 $0x1B8E;
	s24 =	sld [smem:$0x3FFE];
	[sflag:s23] =	ssyncadd.s32 $0xFFFFFFFF  }
0xa5: {  	s26 =	simm.s32 $execute0_lowered;
	[smem:$0x3FD2] =	sst s25  }
0xa6: {  	s5 =	sshll.u32 s26, $0x1;
	_ =	strace $0x80000049;
	[dreg:$0x1] =	wrdreg $0xFFFFFFFF  }
0xa7: {  	s28 =	simm.s32 $_size_execute0_lowered;
	s3 =	sadd.s32 s3, s5;
	[dreg:$0x0] =	wrdreg $0x0  }
0xa8: {  	s5 =	sshll.u32 s28, $0x1;
	[dreg:$0x2] =	wrdreg s3  }
0xa9: {  	[dreg:$0x3] =	wrdreg s5  }
0xaa: {  	[dreg:$0x4] =	wrdreg $0xC0  }
0xab: {  	_ =	task [dreg:s7], $0x5FFFF  }
0xac: {  	[dreg:$0x1] =	wrdreg $0xFFFFFFFF  }
0xad: {  	[dreg:$0x0] =	wrdreg $0x60  }
0xae: {  	[dreg:$0x2] =	wrdreg s24  }
0xaf: {  	[dreg:$0x3] =	wrdreg s2  }
0xb0: {  	[dreg:$0x4] =	wrdreg $0x82000  }
0xb1: {  	[dreg:$0x5] =	wrdreg $0x9  }
0xb2: {  	_ =	task.clear_ibuf [dreg:s7], $0x6FFFF;
	_ =	strace $0x90000049  }
0xb3: {  	s29 =	simm.s32 $0x9;
	_ =	strace $0x8000004B  }
0xb4: {  	_ =	swait.ge [sflag:s29], $0x1  }
0xb5: {  	[sflag:s29] =	ssyncadd.s32 $0xFFFFFFFF  }
0xb6: {  	_ =	strace $0x9000004B  }
0xb7: {  	_ =	sfence  }
0xb8: {  	s30 =	sld [smem:$0x0];
	_ =	sdelay $0x2  }
0xb9: {  	s31 =	sshll.u32 s1, $0xD;
	s1 =	sshrl.u32 s1, $0x2  }
0xba: {  	s3 =	sand.u32 $0x4000, s31;
	s1 =	sadd.s32 s1, s30  }
0xbb: {  	s0 =	sor.u32 s3, s0;
	s1 =	sshll.u32 s1, $0x11  }
0xbc: {  	s0 =	sor.u32 s1, s0  }
0xbd: {  	s0 =	sadd.s32 $0x8F2B, s0  }
0xbe: {  	[sflag:s0] =	ssyncadd.remote.s32 $0x1  }
0xbf: {  	_ =	sfence.sel $0xFFFF  }
0xc0: {  	[dreg:$0x0] =	wrdreg $0xFFFFFFFF;
	(pc) =	sbr.abs _section_cstart, $3  }
0xc1: {  	[dreg:$0x1] =	wrdreg $0xFFFFFFFF  }
0xc2: {  	_ =	task.clear_ibuf [dreg:s7], $0x2FFFF;
	_ =	strace $0x9FFFFFFF  }
0xc3: {  	(tm) =	ssettm $0x7FFFFFFF  }
tec
execute0_lowered:
.L_overlay_start_1:
0x0: {  	(tag) =	ssettag $0x1  }
0x1: {  	s5 =	rddreg [dreg:$0x0]  }
0x2: {  	s12 =	rddreg [dreg:$0x1]  }
0x3: {  	s2 =	rddreg [dreg:$0x2]  }
0x4: {  	s0 =	rddreg [dreg:$0x3]  }
0x5: {  	s3 =	simm.s32 $0x0;
	s1 =	stileid.u32;
	s4 =	srdreg.scid  }
0x6: {  	s16 =	simm.s32 $0x100;
	s17 =	simm.s32 $0x200;
	s18 =	simm.s32 $0x180  }
0x7: {  	s19 =	simm.s32 $0x4200;
	s20 =	simm.s32 $0x3;
	s21 =	simm.s32 $0x4  }
0x8: {  	s22 =	simm.s32 $0x1;
	s23 =	simm.s32 $0x2;
	s6 =	smul.u32 $0x14000, s1  }
0x9: {  	s24 =	simm.s32 $0x0;
	[smem:$0x7FF] =	sst s3;
	s10 =	smul.u32 $0x50000, s1  }
0xa: {  	s7 =	sand.u32 $0x1, s4;
	s4 =	sadd.s32 $0x3DA00, s5;
	s13 =	smul.u32 $0x5000, s1  }
0xb: {  	s11 =	sadd.s32 $0x8DA00, s5;
	s30 =	sshll.u32 s1, $0x6;
	s8 =	smul.u32 $0x140000, s7  }
0xc: {  	_ =	strace $0x8000004A;
	s25 =	smul.u32 $0x50000, s7;
	s7 =	ssub.s32 $0x2, s7  }
0xd: {  	s9 =	sshrl.u32 s6, $0x3;
	s26 =	sshrl.u32 s7, $0x1;
	s28 =	sshrl.u32 s10, $0x2  }
0xe: {  	s9 =	sadd.s32 s9, s5;
	s6 =	sadd.s32 s6, s8;
	s29 =	ssub.s32 s7, s26  }
0xf: {  	s15 =	sadd.s32 s28, s2;
	s13 =	sadd.s32 s13, s25;
	s6 =	sshrl.u32 s6, $0x3  }
0x10: {  	s8 =	sor.u32 $0x80, s13;
	s13 =	sshrl.u32 s13, $0x3;
	s14 =	sadd.s32 s6, s5  }
0x11: {  	v7 =	vlaneseq.u32;
	s5 =	sadd.s32 $0x15A00, s9;
	s6 =	sor.u32 $0x1C05, s30;
	s31 =	sshrl.u32 s8, $0x3  }
0x12: {  	v0 =	vor.u32 $0x2710, v7;
	v1 =	vor.u32 $0x2720, v7;
	s8 =	smax.u32 s29, $0x1;
	s7 =	sadd.s32 $0xA1A00, s14;
	s9 =	sadd.s32 s31, s11  }
0x13: {  	v2 =	vor.u32 $0x2730, v7;
	v3 =	vor.u32 $0x2740, v7;
	v4 =	vor.u32 $0x2750, v7;
	s10 =	sadd.s32 s31, s12;
	s11 =	sadd.s32 s13, s11;
	s12 =	sadd.s32 s13, s12  }
0x14: {  	v5 =	vor.u32 $0x2760, v7;
	v6 =	vor.u32 $0x2770, v7;
	v7 =	vor.u32 $0x2780, v7;
	s13 =	sshrl.u32 s15, $0x3;
	s14 =	simm.s32 $0x5;
	s15 =	simm.s32 $0x80  }
.LBB2_1:
0x15: {  	[spmem:s13], [sflag:s6] =	dma.local [hbm:s5], $0x2800  }
0x16: {  	_ =	swait.ge [sflag:s14], $0x2800  }
0x17: {  	[sflag:s14] =	ssyncset.done $0x0  }
0x18: {  	[sflag:s14] =	ssyncadd.s32 $0xFFFFD800  }
0x19: {  	[bflag:$0x0] =	sbarrier.arrive $0xFFFF  }
0x1a: {  	[tilespmem:$0x100] =	vst v0  }
0x1b: {  	[tilespmem:$0x180] =	vst v0  }
0x1c: {  	[tilespmem:$0x110] =	vst v1  }
0x1d: {  	[tilespmem:$0x190] =	vst v1  }
0x1e: {  	[tilespmem:$0x120] =	vst v2  }
0x1f: {  	[tilespmem:$0x1A0] =	vst v2  }
0x20: {  	[tilespmem:$0x130] =	vst v3  }
0x21: {  	[tilespmem:$0x1B0] =	vst v3  }
0x22: {  	[tilespmem:$0x140] =	vst v4  }
0x23: {  	[tilespmem:$0x1C0] =	vst v4  }
0x24: {  	[tilespmem:$0x150] =	vst v5  }
0x25: {  	[tilespmem:$0x1D0] =	vst v5  }
0x26: {  	[tilespmem:$0x160] =	vst v6  }
0x27: {  	[tilespmem:$0x1E0] =	vst v6  }
0x28: {  	[tilespmem:$0x170] =	vst v7  }
0x29: {  	[tilespmem:$0x1F0] =	vst v7  }
0x2a: {  	[spmem:s2] =	stream.indirect.scatter.add.f32 [tilespmem:s17], [sflag:$0x3], $0x80, s16, s15, $0xb8;
	[tilespmem:$0x1C200] =	vst v63  }
0x2b: {  	_ = 	snop  }
0x2c: {  	[spmem:s2] =	stream.indirect.scatter.add.f32 [tilespmem:s19], [sflag:$0x4], $0x80, s18, s15, $0xb8;
	[tilespmem:$0x1C200] =	vst v63  }
0x2d: {  	_ =	swait.ge [sflag:s20], $0x4000  }
0x2e: {  	[sflag:s20] =	ssyncset.done $0x0  }
0x2f: {  	s25 =	sadd.s32 $0x0, s12;
	[sflag:s20] =	ssyncadd.s32 $0xFFFFC000  }
0x30: {  	[tilespmem:s3], [sflag:$0x5] =	stream.linear.gather [hbm4b:s25+s3], $0x80, $0x38;
	[tilespmem:$0x1C200] =	vst v63  }
0x31: {  	_ =	swait.ge [sflag:s14], $0x80  }
0x32: {  	[sflag:s14] =	ssyncset.done $0x0  }
0x33: {  	[sflag:s14] =	ssyncadd.s32 $0xFFFFFF80  }
0x34: {  	[tilespmem:s17], [sflag:$0x1] =	stream.indirect.gather [hbm4b:s4+s15], $0x80, s3, s15, $0xb8;
	[tilespmem:$0x1C200] =	vst v63  }
0x35: {  	_ =	swait.ge [sflag:s21], $0x4000  }
0x36: {  	[sflag:s21] =	ssyncset.done $0x0  }
0x37: {  	s29 =	sadd.s32 $0x0, s10;
	[sflag:s21] =	ssyncadd.s32 $0xFFFFC000  }
0x38: {  	[tilespmem:s15], [sflag:$0x5] =	stream.linear.gather [hbm4b:s29+s3], $0x80, $0x38;
	[tilespmem:$0x1C200] =	vst v63  }
0x39: {  	_ =	swait.ge [sflag:s14], $0x80  }
0x3a: {  	[sflag:s14] =	ssyncset.done $0x0  }
0x3b: {  	[sflag:s14] =	ssyncadd.s32 $0xFFFFFF80  }
0x3c: {  	[tilespmem:s19], [sflag:$0x2] =	stream.indirect.gather [hbm4b:s4+s15], $0x80, s15, s15, $0xb8;
	[tilespmem:$0x1C200] =	vst v63  }
0x3d: {  	s30 =	sadd.s32 $0x0, s11  }
0x3e: {  	[tilespmem:s16], [sflag:$0x5] =	stream.linear.gather [hbm4b:s30+s3], $0x80, $0x38;
	[tilespmem:$0x1C200] =	vst v63  }
0x3f: {  	_ =	swait.ge [sflag:s14], $0x80  }
0x40: {  	[sflag:s14] =	ssyncset.done $0x0  }
0x41: {  	s31 =	sadd.s32 $0x0, s9;
	[sflag:s14] =	ssyncadd.s32 $0xFFFFFF80  }
0x42: {  	[tilespmem:s18], [sflag:$0x5] =	stream.linear.gather [hbm4b:s31+s3], $0x80, $0x38;
	[tilespmem:$0x1C200] =	vst v63  }
0x43: {  	_ =	swait.ge [sflag:s14], $0x80  }
0x44: {  	[sflag:s14] =	ssyncset.done $0x0  }
0x45: {  	[sflag:s14] =	ssyncadd.s32 $0xFFFFFF80  }
0x46: {  	_ =	swait.ge [sflag:s22], $0x4000  }
0x47: {  	[sflag:s22] =	ssyncset.done $0x0  }
0x48: {  	[sflag:s22] =	ssyncadd.s32 $0xFFFFC000  }
0x49: {  	[spmem:s2] =	stream.indirect.scatter.add.f32 [tilespmem:s17], [sflag:$0x3], $0x80, s16, s15, $0xb8;
	[tilespmem:$0x1C200] =	vst v63  }
0x4a: {  	_ =	swait.ge [sflag:s23], $0x4000  }
0x4b: {  	[sflag:s23] =	ssyncset.done $0x0  }
0x4c: {  	s25 =	simm.s32 $0x20;
	[sflag:s23] =	ssyncadd.s32 $0xFFFFC000  }
.LBB2_2:
0x4d: {  	[spmem:s2] =	stream.indirect.scatter.add.f32 [tilespmem:s19], [sflag:$0x4], $0x80, s18, s15, $0xb8;
	[tilespmem:$0x1C200] =	vst v63  }
0x4e: {  	s26 =	smov.u32 s25  }
0x4f: {  	p0 =	sne.s32 s25, $0x9E0;
	s25 =	sadd.s32 $0x20, s25;
	_ =	swait.ge [sflag:s20], $0x4000  }
0x50: {  	[sflag:s20] =	ssyncset.done $0x0  }
0x51: {  	s28 =	sadd.s32 s26, s12;
	[sflag:s20] =	ssyncadd.s32 $0xFFFFC000  }
0x52: {  	[tilespmem:s3], [sflag:$0x5] =	stream.linear.gather [hbm4b:s28+s3], $0x80, $0x38;
	[tilespmem:$0x1C200] =	vst v63  }
0x53: {  	_ =	swait.ge [sflag:s14], $0x80  }
0x54: {  	[sflag:s14] =	ssyncset.done $0x0  }
0x55: {  	[sflag:s14] =	ssyncadd.s32 $0xFFFFFF80  }
0x56: {  	[tilespmem:s17], [sflag:$0x1] =	stream.indirect.gather [hbm4b:s4+s15], $0x80, s3, s15, $0xb8;
	[tilespmem:$0x1C200] =	vst v63  }
0x57: {  	_ =	swait.ge [sflag:s21], $0x4000  }
0x58: {  	[sflag:s21] =	ssyncset.done $0x0  }
0x59: {  	s28 =	sadd.s32 s26, s10;
	[sflag:s21] =	ssyncadd.s32 $0xFFFFC000  }
0x5a: {  	[tilespmem:s15], [sflag:$0x5] =	stream.linear.gather [hbm4b:s28+s3], $0x80, $0x38;
	[tilespmem:$0x1C200] =	vst v63  }
0x5b: {  	_ =	swait.ge [sflag:s14], $0x80  }
0x5c: {  	[sflag:s14] =	ssyncset.done $0x0  }
0x5d: {  	[sflag:s14] =	ssyncadd.s32 $0xFFFFFF80  }
0x5e: {  	[tilespmem:s19], [sflag:$0x2] =	stream.indirect.gather [hbm4b:s4+s15], $0x80, s15, s15, $0xb8;
	[tilespmem:$0x1C200] =	vst v63  }
0x5f: {  	s28 =	sadd.s32 s26, s11  }
0x60: {  	[tilespmem:s16], [sflag:$0x5] =	stream.linear.gather [hbm4b:s28+s3], $0x80, $0x38;
	[tilespmem:$0x1C200] =	vst v63  }
0x61: {  	_ =	swait.ge [sflag:s14], $0x80  }
0x62: {  	[sflag:s14] =	ssyncset.done $0x0  }
0x63: {  	s26 =	sadd.s32 s26, s9;
	[sflag:s14] =	ssyncadd.s32 $0xFFFFFF80  }
0x64: {  	[tilespmem:s18], [sflag:$0x5] =	stream.linear.gather [hbm4b:s26+s3], $0x80, $0x38;
	[tilespmem:$0x1C200] =	vst v63  }
0x65: {  	_ =	swait.ge [sflag:s14], $0x80  }
0x66: {  	[sflag:s14] =	ssyncset.done $0x0  }
0x67: {  	[sflag:s14] =	ssyncadd.s32 $0xFFFFFF80  }
0x68: {  	_ =	swait.ge [sflag:s22], $0x4000  }
0x69: {  	[sflag:s22] =	ssyncset.done $0x0  }
.Ltmp0:
0x6a: {  	[sflag:s22] =	ssyncadd.s32 $0xFFFFC000;
	(pc) =	sbr.rel @p0 .LBB2_2-.Ltmp0, $4  }
0x6b: {  	[spmem:s2] =	stream.indirect.scatter.add.f32 [tilespmem:s17], [sflag:$0x3], $0x80, s16, s15, $0xb8;
	[tilespmem:$0x1C200] =	vst v63  }
0x6c: {  	_ =	swait.ge [sflag:s23], $0x4000  }
0x6d: {  	[sflag:s23] =	ssyncset.done $0x0  }
0x6e: {  	[sflag:s23] =	ssyncadd.s32 $0xFFFFC000  }
0x6f: {  	[spmem:s2] =	stream.indirect.scatter.add.f32 [tilespmem:s19], [sflag:$0x4], $0x80, s18, s15, $0xb8;
	[tilespmem:$0x1C200] =	vst v63  }
0x70: {  	_ =	swait.ge [sflag:s20], $0x4000  }
0x71: {  	[sflag:s20] =	ssyncset.done $0x0  }
0x72: {  	[sflag:s20] =	ssyncadd.s32 $0xFFFFC000  }
0x73: {  	_ =	swait.ge [sflag:s21], $0x4000  }
0x74: {  	s24 =	sadd.s32 $0x1, s24;
	[sflag:s21] =	ssyncset.done $0x0  }
0x75: {  	p0 =	sne.s32 s24, s8;
	[sflag:s21] =	ssyncadd.s32 $0xFFFFC000  }
.Ltmp1:
0x76: {  	[bflag:$0x0] =	sbarrier.arrive $0xFFFF;
	(pc) =	sbr.rel @p0 .LBB2_1-.Ltmp1, $4  }
0x77: {  	[hbm:s7], [sflag:s6] =	dma.local [spmem:s13], $0x2800  }
0x78: {  	_ =	swait.ge [sflag:s14], $0x2800  }
0x79: {  	[sflag:s14] =	ssyncset.done $0x0  }
0x7a: {  	[sflag:s14] =	ssyncadd.s32 $0xFFFFD800  }
0x7b: {  	_ =	sfence.sel $0x180000  }
0x7c: {  	[bflag:$0x0] =	sbarrier.arrive $0xFFFF  }
0x7d: {  	p0 =	sne.s32 s1, $0x0;
	_ =	strace $0x9000004A  }
0x7e: {  	s0 =	sadd.s32 @!p0 $0x100000, s0;
	[bflag:$0x2] =	sbarrier.arrive $0xFFFF  }
0x7f: {  	[sflag:s0] =	ssyncadd.tile.s32 @!p0 $0x1;
	_ =	shalt  }
.Lfunc_end2:
_tile_overlayer_lowered:
.L_overlay_start_2:
0x80: {  	(tag) =	ssettag $0x2  }
0x81: {  	s0 =	rddreg [dreg:$0x0];
	s2 =	stileid.u32  }
0x82: {  	s1 =	rddreg [dreg:$0x1];
	p0 =	sne.s32 s2, $0x0  }
0x83: {  	s3 =	rddreg [dreg:$0x2];
	[bflag:$0x3] =	sbarrier.arrive $0xFFFF;
	s2 =	simm.s32 @!p0 $0x1C05  }
0x84: {  	[timem:s3], [sflag:s2] =	dma.local @!p0 [hbm:s0], s1  }
0x85: {  	s0 =	simm.s32 @!p0 $0x5  }
0x86: {  	_ =	swait.ge @!p0 [sflag:s0], s1  }
0x87: {  	s1 =	ssub.s32 @!p0 $0x0, s1;
	[sflag:s0] =	ssyncset.done @!p0 $0x0  }
0x88: {  	[sflag:s0] =	ssyncadd.s32 @!p0 s1  }
0x89: {  	[bflag:$0x3] =	sbarrier.arrive $0xFFFF  }
0x8a: {  	_ =	shalt  }

</sc_bundles>
